<compile_context>
chip_gen: v7x
topology: tpu7x:2x2x1
jax: 0.10.2.dev20260603
libtpu: 0.0.44.dev20260713+nightly
codegen_flags: <defaults>
</compile_context>

<pallas_src>
import jax
import jax.numpy as jnp
from jax import lax
from jax.experimental import pallas as pl
from jax.experimental.pallas import tpu as pltpu
from jax.experimental.pallas import tpu_sc as plsc

N_NODES = 100000
D = 128
K = 10
B = 50000

NC = 2
NS = 16
NW = NC * NS

C = 112
NCHUNK = 14
BPW = C * NCHUNK
BP = BPW * NW

KPAD = 128

ROWS_TC = 1000

_MESH = dict(core_axis_name="c", subcore_axis_name="s",
             num_cores=NC, num_subcores=NS)


def _stage1_body(inp_hbm, neigh_hbm, bn_hbm, neighs_out, self_out,
                 idx_v, neigh_v0, neigh_v1, self_v0, self_v1,
                 sem_n0, sem_n1, sem_s0, sem_s1):
    wid = lax.axis_index("s") * NC + lax.axis_index("c")
    base = wid * BPW
    pltpu.sync_copy(bn_hbm.at[wid], idx_v)

    neigh_v = (neigh_v0, neigh_v1)
    self_v = (self_v0, self_v1)
    sem_n = (sem_n0, sem_n1)
    sem_s = (sem_s0, sem_s1)

    pltpu.async_copy(neigh_hbm.at[idx_v.at[0]], neigh_v[0], sem_n[0])
    pltpu.async_copy(inp_hbm.at[idx_v.at[0]], self_v[0], sem_s[0])

    def pair_body(p, carry):
        for b in range(2):
            c = 2 * p + b
            nb = 1 - b

            @pl.when(c + 1 < NCHUNK)
            def _():
                pltpu.async_copy(neigh_hbm.at[idx_v.at[c + 1]],
                                 neigh_v[nb], sem_n[nb])
                pltpu.async_copy(inp_hbm.at[idx_v.at[c + 1]],
                                 self_v[nb], sem_s[nb])

            off = base + c * C
            pltpu.make_async_copy(neigh_hbm.at[idx_v.at[c]],
                                  neigh_v[b], sem_n[b]).wait()
            pltpu.sync_copy(neigh_v[b], neighs_out.at[pl.ds(off, C)])
            pltpu.make_async_copy(inp_hbm.at[idx_v.at[c]],
                                  self_v[b], sem_s[b]).wait()
            pltpu.sync_copy(self_v[b], self_out.at[pl.ds(off, C)])
        return carry

    lax.fori_loop(0, NCHUNK // 2, pair_body, 0)


def _make_stage1():
    mesh = plsc.VectorSubcoreMesh(**_MESH)
    return pl.kernel(
        _stage1_body,
        out_type=[
            jax.ShapeDtypeStruct((BP, KPAD), jnp.int32),
            jax.ShapeDtypeStruct((BP, D), jnp.float32),
        ],
        mesh=mesh,
        scratch_types=[
            pltpu.VMEM((NCHUNK, C), jnp.int32),
            pltpu.VMEM((C, KPAD), jnp.int32),
            pltpu.VMEM((C, KPAD), jnp.int32),
            pltpu.VMEM((C, D), jnp.float32),
            pltpu.VMEM((C, D), jnp.float32),
            pltpu.SemaphoreType.DMA,
            pltpu.SemaphoreType.DMA,
            pltpu.SemaphoreType.DMA,
            pltpu.SemaphoreType.DMA,
        ],
        name="sage_sc_stage1",
    )


def _stage2_body(inp_hbm, neighsT_hbm, sum_out,
                 klist_v, acc_v0, acc_v1,
                 sem_k, sem_r0, sem_r1):
    wid = lax.axis_index("s") * NC + lax.axis_index("c")
    base = wid * BPW

    acc_v = (acc_v0, acc_v1)
    sem_r = (sem_r0, sem_r1)

    for k in range(K):
        pltpu.async_copy(neighsT_hbm.at[k, wid], klist_v.at[k], sem_k)
    for k in range(K):
        pltpu.make_async_copy(neighsT_hbm.at[k, wid], klist_v.at[k],
                              sem_k).wait()

    zeros16 = jnp.zeros((16,), jnp.float32)

    def zero_acc(b):
        def zero_row(r, carry2):
            for l in range(D // 16):
                acc_v[b][r, pl.ds(16 * l, 16)] = zeros16
            return carry2
        lax.fori_loop(0, C, zero_row, 0)

    def fire_adds(c, b):
        for k in range(K):
            pltpu.async_copy(inp_hbm.at[klist_v.at[k, c]], acc_v[b],
                             sem_r[b], add=True)

    def drain_adds(c, b):
        for k in range(K):
            pltpu.make_async_copy(inp_hbm.at[klist_v.at[k, c]], acc_v[b],
                                  sem_r[b]).wait()

    zero_acc(0)
    fire_adds(0, 0)

    def pair_body(p, carry):
        for b in range(2):
            c = 2 * p + b
            nb = 1 - b

            @pl.when(c + 1 < NCHUNK)
            def _():
                zero_acc(nb)
                fire_adds(c + 1, nb)

            drain_adds(c, b)
            off = base + c * C
            pltpu.sync_copy(acc_v[b], sum_out.at[pl.ds(off, C)])
        return carry

    lax.fori_loop(0, NCHUNK // 2, pair_body, 0)


def _make_stage2():
    mesh = plsc.VectorSubcoreMesh(**_MESH)
    return pl.kernel(
        _stage2_body,
        out_type=jax.ShapeDtypeStruct((BP, D), jnp.float32),
        mesh=mesh,
        scratch_types=[
            pltpu.VMEM((K, NCHUNK, C), jnp.int32),
            pltpu.VMEM((C, D), jnp.float32),
            pltpu.VMEM((C, D), jnp.float32),
            pltpu.SemaphoreType.DMA,
            pltpu.SemaphoreType.DMA,
            pltpu.SemaphoreType.DMA,
        ],
        name="sage_sc_stage2",
    )


def _mm_body(self_ref, sum_ref, w1_ref, w2_ref, o_ref):
    a = self_ref[...]
    m = sum_ref[...] * jnp.float32(1.0 / K)
    acc = jnp.dot(a, w1_ref[...], preferred_element_type=jnp.float32)
    acc += jnp.dot(m, w2_ref[...], preferred_element_type=jnp.float32)
    o_ref[...] = jnp.maximum(acc, 0.0)


def _tc_matmul(self_rows, neigh_sum, w1, w2):
    grid = (B // ROWS_TC,)
    return pl.pallas_call(
        _mm_body,
        grid=grid,
        in_specs=[
            pl.BlockSpec((ROWS_TC, D), lambda i: (i, 0)),
            pl.BlockSpec((ROWS_TC, D), lambda i: (i, 0)),
            pl.BlockSpec((D, D), lambda i: (0, 0)),
            pl.BlockSpec((D, D), lambda i: (0, 0)),
        ],
        out_specs=pl.BlockSpec((ROWS_TC, D), lambda i: (i, 0)),
        out_shape=jax.ShapeDtypeStruct((B, D), jnp.float32),
    )(self_rows, neigh_sum, w1, w2)


@jax.jit
def kernel(_input, neigh_tab, batch_nodes, weight):
    neigh_tab = neigh_tab.astype(jnp.int32)
    batch_nodes = batch_nodes.astype(jnp.int32)
    neigh128 = jnp.pad(neigh_tab, ((0, 0), (0, KPAD - K)))
    bn = jnp.pad(batch_nodes, (0, BP - B)).reshape(NW, NCHUNK, C)
    neighs, self_rows = _make_stage1()(_input, neigh128, bn)
    neighsT = neighs[:, :K].T.reshape(K, NW, NCHUNK, C)
    neigh_sum = _make_stage2()(_input, neighsT)
    return _tc_matmul(self_rows, neigh_sum, weight[:D], weight[D:])

# --- scband reference (transcript-rebuilt; emitter-appended) ---
"""Pipeline reference for scband-graph-sagelayer-67920612819026 (READ-ONLY COPY).

The authoritative reference and input builder live on the scoring server;
editing this copy changes nothing except your own understanding.
"""

import jax, jax.numpy as jnp
import numpy as np

N_NODES = 100000
D_FEAT = 128
SAMPLE_K = 10
BATCH = 50000

def setup_inputs(seed: int = 0) -> dict:
    key = jax.random.key(seed)
    k1, k2, k3, k4 = jax.random.split(key, 4)
    _input = jax.random.normal(k1, (N_NODES, D_FEAT), dtype=jnp.float32)
    # dict-of-neighbor-sets in the torch module is tensorized as a fixed-degree
    # neighbor table [N, K] (sample_size=10, per the module's aggregate default)
    neigh_tab = jax.random.randint(k2, (N_NODES, SAMPLE_K), 0, N_NODES).astype(jnp.int64)
    batch_nodes = jax.random.randint(k3, (BATCH,), 0, N_NODES).astype(jnp.int64)
    # weight init mirrors reset_parameters(): uniform(-1/sqrt(out), 1/sqrt(out))
    std_dev = 1.0 / np.sqrt(D_FEAT)
    weight = jax.random.uniform(k4, (2 * D_FEAT, D_FEAT), minval=-std_dev, maxval=std_dev, dtype=jnp.float32)
    return {"_input": _input, "neigh_tab": neigh_tab, "batch_nodes": batch_nodes, "weight": weight}

def reference(_input, neigh_tab, batch_nodes, weight):
    # aggregate: MEAN over sampled neighbors of each batch node
    neighs = jnp.take(neigh_tab, batch_nodes, axis=0)        # [B, K] gather
    gathered = jnp.take(_input, neighs, axis=0)               # [B, K, d] gather
    aggregated = jnp.mean(gathered, axis=1)                   # [B, d]
    # forward: concat(self feats, aggregated) @ W, relu
    self_feats = jnp.take(_input, batch_nodes, axis=0)        # [B, d]
    combined = jnp.concatenate([self_feats, aggregated], axis=1)  # [B, 2d]
    return jax.nn.relu(combined @ weight)                     # [B, d_out]

if __name__ == "__main__":
    import jax
    _d = setup_inputs()
    print(jax.jit(kernel)(*tuple(_d.values())))

</pallas_src>

<mosaic_0001>
#map = affine_map<(d0, d1) -> (0, 0)>
#map1 = affine_map<(d0, d1) -> (0, 0, 0)>
module attributes {stable_mosaic.version = 14 : i64} {
  func.func @sage_sc_stage1(%arg0: i32, %arg1: i32, %arg2: memref<100000x128xf32, #tpu.memory_space<hbm>>, %arg3: memref<100000x128xi32, #tpu.memory_space<hbm>>, %arg4: memref<32x14x112xi32, #tpu.memory_space<hbm>>, %arg5: memref<50176x128xi32, #tpu.memory_space<hbm>>, %arg6: memref<50176x128xf32, #tpu.memory_space<hbm>>, %arg7: memref<14x112xi32, #tpu.memory_space<vmem>>, %arg8: memref<112x128xi32, #tpu.memory_space<vmem>>, %arg9: memref<112x128xi32, #tpu.memory_space<vmem>>, %arg10: memref<112x128xf32, #tpu.memory_space<vmem>>, %arg11: memref<112x128xf32, #tpu.memory_space<vmem>>, %arg12: memref<!tpu.dma_semaphore, #tpu.memory_space<semaphore_mem>>, %arg13: memref<!tpu.dma_semaphore, #tpu.memory_space<semaphore_mem>>, %arg14: memref<!tpu.dma_semaphore, #tpu.memory_space<semaphore_mem>>, %arg15: memref<!tpu.dma_semaphore, #tpu.memory_space<semaphore_mem>>) attributes {dimension_semantics = [#tpu.dimension_semantics<core_parallel>, #tpu.dimension_semantics<subcore_parallel>], iteration_bounds = array<i64: 2, 16>, scalar_prefetch = 0 : i64, scratch_operands = 9 : i64, tpu.core_type = #tpu.core_type<sc_vector_subcore>, window_params = [{transform_indices = #map}, {transform_indices = #map}, {transform_indices = #map1}, {transform_indices = #map}, {transform_indices = #map}]} {
    %mul3A = arith.constant 2 : i32
    %mul3A_0 = arith.muli %arg1, %mul3A : i32
    %add3A = arith.addi %mul3A_0, %arg0 : i32
    %mul3A_1 = arith.constant 1568 : i32
    %mul3A_2 = arith.muli %add3A, %mul3A_1 : i32
    "tpu.region"() ({
      %run_scoped3A = tpu.sem_alloc : memref<!tpu.dma_semaphore, #tpu.memory_space<semaphore_mem>>
      %dma_start3A_21 = arith.constant 0 : i32
      %dma_start3A_22 = arith.constant 0 : i32
      %dma_start3A_23 = tpu.memref_slice %arg4[%add3A, %dma_start3A_21, %dma_start3A_22] : memref<32x14x112xi32, #tpu.memory_space<hbm>> -> memref<1x14x112xi32, #tpu.memory_space<hbm>>
      %dma_start3A_24 = tpu.memref_squeeze %dma_start3A_23 : memref<1x14x112xi32, #tpu.memory_space<hbm>> -> memref<14x112xi32, #tpu.memory_space<hbm>>
      %dma_start3A_25 = arith.constant 0 : i32
      %dma_start3A_26 = arith.constant 0 : i32
      %dma_start3A_27 = tpu.memref_slice %arg4[%add3A, %dma_start3A_25, %dma_start3A_26] : memref<32x14x112xi32, #tpu.memory_space<hbm>> -> memref<1x14x112xi32, #tpu.memory_space<hbm>>
      %dma_start3A_28 = tpu.memref_squeeze %dma_start3A_27 : memref<1x14x112xi32, #tpu.memory_space<hbm>> -> memref<14x112xi32, #tpu.memory_space<hbm>>
      tpu.enqueue_dma source(%dma_start3A_28 : memref<14x112xi32, #tpu.memory_space<hbm>>) target(%arg7 : memref<14x112xi32, #tpu.memory_space<vmem>>) target_semaphore(%run_scoped3A : memref<!tpu.dma_semaphore, #tpu.memory_space<semaphore_mem>>)
      %dma_wait3A = arith.constant 0 : i32
      %dma_wait3A_29 = arith.constant 0 : i32
      %dma_wait3A_30 = tpu.memref_slice %arg4[%add3A, %dma_wait3A, %dma_wait3A_29] : memref<32x14x112xi32, #tpu.memory_space<hbm>> -> memref<1x14x112xi32, #tpu.memory_space<hbm>>
      %dma_wait3A_31 = tpu.memref_squeeze %dma_wait3A_30 : memref<1x14x112xi32, #tpu.memory_space<hbm>> -> memref<14x112xi32, #tpu.memory_space<hbm>>
      %dma_wait3A_32 = arith.constant 0 : i32
      %dma_wait3A_33 = arith.constant 0 : i32
      %dma_wait3A_34 = tpu.memref_slice %arg4[%add3A, %dma_wait3A_32, %dma_wait3A_33] : memref<32x14x112xi32, #tpu.memory_space<hbm>> -> memref<1x14x112xi32, #tpu.memory_space<hbm>>
      %dma_wait3A_35 = tpu.memref_squeeze %dma_wait3A_34 : memref<1x14x112xi32, #tpu.memory_space<hbm>> -> memref<14x112xi32, #tpu.memory_space<hbm>>
      tpu.wait_dma2 semaphore(%run_scoped3A : memref<!tpu.dma_semaphore, #tpu.memory_space<semaphore_mem>>) src(%dma_wait3A_35 : memref<14x112xi32, #tpu.memory_space<hbm>>) dst(%arg7 : memref<14x112xi32, #tpu.memory_space<vmem>>)
      tpu.yield
    }) : () -> ()
    %dma_start3A = arith.constant 0 : i32
    %dma_start3A_3 = arith.constant 0 : i32
    %dma_start3A_4 = tpu.memref_slice %arg7[%dma_start3A, %dma_start3A_3] : memref<14x112xi32, #tpu.memory_space<vmem>> -> memref<1x112xi32, #tpu.memory_space<vmem>>
    %dma_start3A_5 = tpu.memref_squeeze %dma_start3A_4 : memref<1x112xi32, #tpu.memory_space<vmem>> -> memref<112xi32, #tpu.memory_space<vmem>>
    %dma_start3A_6 = arith.constant 0 : i32
    %dma_start3A_7 = arith.constant 0 : i32
    %dma_start3A_8 = tpu.memref_slice %arg3[%dma_start3A_6, %dma_start3A_7] : memref<100000x128xi32, #tpu.memory_space<hbm>> -> memref<100000x128xi32, #tpu.memory_space<hbm>>
    tpu.enqueue_indirect_dma source(%dma_start3A_8 : memref<100000x128xi32, #tpu.memory_space<hbm>>) target(%arg8 : memref<112x128xi32, #tpu.memory_space<vmem>>) offsets(%dma_start3A_5 : memref<112xi32, #tpu.memory_space<vmem>>) semaphore(%arg12 : memref<!tpu.dma_semaphore, #tpu.memory_space<semaphore_mem>>)
    %dma_start3A_9 = arith.constant 0 : i32
    %dma_start3A_10 = arith.constant 0 : i32
    %dma_start3A_11 = tpu.memref_slice %arg7[%dma_start3A_9, %dma_start3A_10] : memref<14x112xi32, #tpu.memory_space<vmem>> -> memref<1x112xi32, #tpu.memory_space<vmem>>
    %dma_start3A_12 = tpu.memref_squeeze %dma_start3A_11 : memref<1x112xi32, #tpu.memory_space<vmem>> -> memref<112xi32, #tpu.memory_space<vmem>>
    %dma_start3A_13 = arith.constant 0 : i32
    %dma_start3A_14 = arith.constant 0 : i32
    %dma_start3A_15 = tpu.memref_slice %arg2[%dma_start3A_13, %dma_start3A_14] : memref<100000x128xf32, #tpu.memory_space<hbm>> -> memref<100000x128xf32, #tpu.memory_space<hbm>>
    tpu.enqueue_indirect_dma source(%dma_start3A_15 : memref<100000x128xf32, #tpu.memory_space<hbm>>) target(%arg10 : memref<112x128xf32, #tpu.memory_space<vmem>>) offsets(%dma_start3A_12 : memref<112xi32, #tpu.memory_space<vmem>>) semaphore(%arg14 : memref<!tpu.dma_semaphore, #tpu.memory_space<semaphore_mem>>)
    %scan3A = arith.constant 0 : i32
    %scan3A_16 = arith.constant 0 : i32
    %scan3A_17 = arith.constant 7 : i32
    %scan3A_18 = arith.addi %scan3A_16, %scan3A_17 : i32
    %scan3A_19 = arith.constant 1 : i32
    scf.for %scan3A_21 = %scan3A_16 to %scan3A_18 step %scan3A_19  : i32 {
      %mul3A_22 = arith.constant 2 : i32
      %mul3A_23 = arith.muli %mul3A_22, %scan3A_21 : i32
      %add3A_24 = arith.constant 0 : i32
      %add3A_25 = arith.addi %mul3A_23, %add3A_24 : i32
      %add3A_26 = arith.constant 1 : i32
      %add3A_27 = arith.addi %add3A_25, %add3A_26 : i32
      %lt3A = arith.constant 14 : i32
      %lt3A_28 = arith.cmpi slt, %add3A_27, %lt3A : i32
      %convert_element_type3A = arith.extui %lt3A_28 : i1 to i32
      %cond3A = arith.constant 0 : i32
      %cond3A_29 = arith.cmpi ne, %convert_element_type3A, %cond3A : i32
      scf.if %cond3A_29 {
        %add3A_70 = arith.constant 1 : i32
        %add3A_71 = arith.addi %add3A_25, %add3A_70 : i32
        %dma_start3A_72 = arith.constant 0 : i32
        %dma_start3A_73 = tpu.memref_slice %arg7[%add3A_71, %dma_start3A_72] : memref<14x112xi32, #tpu.memory_space<vmem>> -> memref<1x112xi32, #tpu.memory_space<vmem>>
        %dma_start3A_74 = tpu.memref_squeeze %dma_start3A_73 : memref<1x112xi32, #tpu.memory_space<vmem>> -> memref<112xi32, #tpu.memory_space<vmem>>
        %dma_start3A_75 = arith.constant 0 : i32
        %dma_start3A_76 = arith.constant 0 : i32
        %dma_start3A_77 = tpu.memref_slice %arg3[%dma_start3A_75, %dma_start3A_76] : memref<100000x128xi32, #tpu.memory_space<hbm>> -> memref<100000x128xi32, #tpu.memory_space<hbm>>
        tpu.enqueue_indirect_dma source(%dma_start3A_77 : memref<100000x128xi32, #tpu.memory_space<hbm>>) target(%arg9 : memref<112x128xi32, #tpu.memory_space<vmem>>) offsets(%dma_start3A_74 : memref<112xi32, #tpu.memory_space<vmem>>) semaphore(%arg13 : memref<!tpu.dma_semaphore, #tpu.memory_space<semaphore_mem>>)
        %add3A_78 = arith.constant 1 : i32
        %add3A_79 = arith.addi %add3A_25, %add3A_78 : i32
        %dma_start3A_80 = arith.constant 0 : i32
        %dma_start3A_81 = tpu.memref_slice %arg7[%add3A_79, %dma_start3A_80] : memref<14x112xi32, #tpu.memory_space<vmem>> -> memref<1x112xi32, #tpu.memory_space<vmem>>
        %dma_start3A_82 = tpu.memref_squeeze %dma_start3A_81 : memref<1x112xi32, #tpu.memory_space<vmem>> -> memref<112xi32, #tpu.memory_space<vmem>>
        %dma_start3A_83 = arith.constant 0 : i32
        %dma_start3A_84 = arith.constant 0 : i32
        %dma_start3A_85 = tpu.memref_slice %arg2[%dma_start3A_83, %dma_start3A_84] : memref<100000x128xf32, #tpu.memory_space<hbm>> -> memref<100000x128xf32, #tpu.memory_space<hbm>>
        tpu.enqueue_indirect_dma source(%dma_start3A_85 : memref<100000x128xf32, #tpu.memory_space<hbm>>) target(%arg11 : memref<112x128xf32, #tpu.memory_space<vmem>>) offsets(%dma_start3A_82 : memref<112xi32, #tpu.memory_space<vmem>>) semaphore(%arg15 : memref<!tpu.dma_semaphore, #tpu.memory_space<semaphore_mem>>)
      } else {
      }
      %mul3A_30 = arith.constant 112 : i32
      %mul3A_31 = arith.muli %add3A_25, %mul3A_30 : i32
      %add3A_32 = arith.addi %mul3A_2, %mul3A_31 : i32
      %dma_wait3A = arith.constant 0 : i32
      %dma_wait3A_33 = tpu.memref_slice %arg7[%add3A_25, %dma_wait3A] : memref<14x112xi32, #tpu.memory_space<vmem>> -> memref<1x112xi32, #tpu.memory_space<vmem>>
      %dma_wait3A_34 = tpu.memref_squeeze %dma_wait3A_33 : memref<1x112xi32, #tpu.memory_space<vmem>> -> memref<112xi32, #tpu.memory_space<vmem>>
      %dma_wait3A_35 = arith.constant 0 : i32
      %dma_wait3A_36 = arith.constant 0 : i32
      %dma_wait3A_37 = tpu.memref_slice %arg3[%dma_wait3A_35, %dma_wait3A_36] : memref<100000x128xi32, #tpu.memory_space<hbm>> -> memref<100000x128xi32, #tpu.memory_space<hbm>>
      tpu.wait_indirect_dma semaphore(%arg12 : memref<!tpu.dma_semaphore, #tpu.memory_space<semaphore_mem>>) src(%dma_wait3A_37 : memref<100000x128xi32, #tpu.memory_space<hbm>>) dst(%arg8 : memref<112x128xi32, #tpu.memory_space<vmem>>)
      "tpu.region"() ({
        %run_scoped3A = tpu.sem_alloc : memref<!tpu.dma_semaphore, #tpu.memory_space<semaphore_mem>>
        %dma_start3A_70 = arith.constant 0 : i32
        %dma_start3A_71 = tpu.memref_slice %arg5[%add3A_32, %dma_start3A_70] : memref<50176x128xi32, #tpu.memory_space<hbm>> -> memref<112x128xi32, #tpu.memory_space<hbm>>
        %dma_start3A_72 = arith.constant 0 : i32
        %dma_start3A_73 = tpu.memref_slice %arg5[%add3A_32, %dma_start3A_72] : memref<50176x128xi32, #tpu.memory_space<hbm>> -> memref<112x128xi32, #tpu.memory_space<hbm>>
        tpu.enqueue_dma source(%arg8 : memref<112x128xi32, #tpu.memory_space<vmem>>) target(%dma_start3A_73 : memref<112x128xi32, #tpu.memory_space<hbm>>) target_semaphore(%run_scoped3A : memref<!tpu.dma_semaphore, #tpu.memory_space<semaphore_mem>>)
        %dma_wait3A_74 = arith.constant 0 : i32
        %dma_wait3A_75 = tpu.memref_slice %arg5[%add3A_32, %dma_wait3A_74] : memref<50176x128xi32, #tpu.memory_space<hbm>> -> memref<112x128xi32, #tpu.memory_space<hbm>>
        %dma_wait3A_76 = arith.constant 0 : i32
        %dma_wait3A_77 = tpu.memref_slice %arg5[%add3A_32, %dma_wait3A_76] : memref<50176x128xi32, #tpu.memory_space<hbm>> -> memref<112x128xi32, #tpu.memory_space<hbm>>
        tpu.wait_dma2 semaphore(%run_scoped3A : memref<!tpu.dma_semaphore, #tpu.memory_space<semaphore_mem>>) src(%arg8 : memref<112x128xi32, #tpu.memory_space<vmem>>) dst(%dma_wait3A_77 : memref<112x128xi32, #tpu.memory_space<hbm>>)
        tpu.yield
      }) : () -> ()
      %dma_wait3A_38 = arith.constant 0 : i32
      %dma_wait3A_39 = tpu.memref_slice %arg7[%add3A_25, %dma_wait3A_38] : memref<14x112xi32, #tpu.memory_space<vmem>> -> memref<1x112xi32, #tpu.memory_space<vmem>>
      %dma_wait3A_40 = tpu.memref_squeeze %dma_wait3A_39 : memref<1x112xi32, #tpu.memory_space<vmem>> -> memref<112xi32, #tpu.memory_space<vmem>>
      %dma_wait3A_41 = arith.constant 0 : i32
      %dma_wait3A_42 = arith.constant 0 : i32
      %dma_wait3A_43 = tpu.memref_slice %arg2[%dma_wait3A_41, %dma_wait3A_42] : memref<100000x128xf32, #tpu.memory_space<hbm>> -> memref<100000x128xf32, #tpu.memory_space<hbm>>
      tpu.wait_indirect_dma semaphore(%arg14 : memref<!tpu.dma_semaphore, #tpu.memory_space<semaphore_mem>>) src(%dma_wait3A_43 : memref<100000x128xf32, #tpu.memory_space<hbm>>) dst(%arg10 : memref<112x128xf32, #tpu.memory_space<vmem>>)
      "tpu.region"() ({
        %run_scoped3A = tpu.sem_alloc : memref<!tpu.dma_semaphore, #tpu.memory_space<semaphore_mem>>
        %dma_start3A_70 = arith.constant 0 : i32
        %dma_start3A_71 = tpu.memref_slice %arg6[%add3A_32, %dma_start3A_70] : memref<50176x128xf32, #tpu.memory_space<hbm>> -> memref<112x128xf32, #tpu.memory_space<hbm>>
        %dma_start3A_72 = arith.constant 0 : i32
        %dma_start3A_73 = tpu.memref_slice %arg6[%add3A_32, %dma_start3A_72] : memref<50176x128xf32, #tpu.memory_space<hbm>> -> memref<112x128xf32, #tpu.memory_space<hbm>>
        tpu.enqueue_dma source(%arg10 : memref<112x128xf32, #tpu.memory_space<vmem>>) target(%dma_start3A_73 : memref<112x128xf32, #tpu.memory_space<hbm>>) target_semaphore(%run_scoped3A : memref<!tpu.dma_semaphore, #tpu.memory_space<semaphore_mem>>)
        %dma_wait3A_74 = arith.constant 0 : i32
        %dma_wait3A_75 = tpu.memref_slice %arg6[%add3A_32, %dma_wait3A_74] : memref<50176x128xf32, #tpu.memory_space<hbm>> -> memref<112x128xf32, #tpu.memory_space<hbm>>
        %dma_wait3A_76 = arith.constant 0 : i32
        %dma_wait3A_77 = tpu.memref_slice %arg6[%add3A_32, %dma_wait3A_76] : memref<50176x128xf32, #tpu.memory_space<hbm>> -> memref<112x128xf32, #tpu.memory_space<hbm>>
        tpu.wait_dma2 semaphore(%run_scoped3A : memref<!tpu.dma_semaphore, #tpu.memory_space<semaphore_mem>>) src(%arg10 : memref<112x128xf32, #tpu.memory_space<vmem>>) dst(%dma_wait3A_77 : memref<112x128xf32, #tpu.memory_space<hbm>>)
        tpu.yield
      }) : () -> ()
      %mul3A_44 = arith.constant 2 : i32
      %mul3A_45 = arith.muli %mul3A_44, %scan3A_21 : i32
      %add3A_46 = arith.constant 1 : i32
      %add3A_47 = arith.addi %mul3A_45, %add3A_46 : i32
      %add3A_48 = arith.constant 1 : i32
      %add3A_49 = arith.addi %add3A_47, %add3A_48 : i32
      %lt3A_50 = arith.constant 14 : i32
      %lt3A_51 = arith.cmpi slt, %add3A_49, %lt3A_50 : i32
      %convert_element_type3A_52 = arith.extui %lt3A_51 : i1 to i32
      %cond3A_53 = arith.constant 0 : i32
      %cond3A_54 = arith.cmpi ne, %convert_element_type3A_52, %cond3A_53 : i32
      scf.if %cond3A_54 {
        %add3A_70 = arith.constant 1 : i32
        %add3A_71 = arith.addi %add3A_47, %add3A_70 : i32
        %dma_start3A_72 = arith.constant 0 : i32
        %dma_start3A_73 = tpu.memref_slice %arg7[%add3A_71, %dma_start3A_72] : memref<14x112xi32, #tpu.memory_space<vmem>> -> memref<1x112xi32, #tpu.memory_space<vmem>>
        %dma_start3A_74 = tpu.memref_squeeze %dma_start3A_73 : memref<1x112xi32, #tpu.memory_space<vmem>> -> memref<112xi32, #tpu.memory_space<vmem>>
        %dma_start3A_75 = arith.constant 0 : i32
        %dma_start3A_76 = arith.constant 0 : i32
        %dma_start3A_77 = tpu.memref_slice %arg3[%dma_start3A_75, %dma_start3A_76] : memref<100000x128xi32, #tpu.memory_space<hbm>> -> memref<100000x128xi32, #tpu.memory_space<hbm>>
        tpu.enqueue_indirect_dma source(%dma_start3A_77 : memref<100000x128xi32, #tpu.memory_space<hbm>>) target(%arg8 : memref<112x128xi32, #tpu.memory_space<vmem>>) offsets(%dma_start3A_74 : memref<112xi32, #tpu.memory_space<vmem>>) semaphore(%arg12 : memref<!tpu.dma_semaphore, #tpu.memory_space<semaphore_mem>>)
        %add3A_78 = arith.constant 1 : i32
        %add3A_79 = arith.addi %add3A_47, %add3A_78 : i32
        %dma_start3A_80 = arith.constant 0 : i32
        %dma_start3A_81 = tpu.memref_slice %arg7[%add3A_79, %dma_start3A_80] : memref<14x112xi32, #tpu.memory_space<vmem>> -> memref<1x112xi32, #tpu.memory_space<vmem>>
        %dma_start3A_82 = tpu.memref_squeeze %dma_start3A_81 : memref<1x112xi32, #tpu.memory_space<vmem>> -> memref<112xi32, #tpu.memory_space<vmem>>
        %dma_start3A_83 = arith.constant 0 : i32
        %dma_start3A_84 = arith.constant 0 : i32
        %dma_start3A_85 = tpu.memref_slice %arg2[%dma_start3A_83, %dma_start3A_84] : memref<100000x128xf32, #tpu.memory_space<hbm>> -> memref<100000x128xf32, #tpu.memory_space<hbm>>
        tpu.enqueue_indirect_dma source(%dma_start3A_85 : memref<100000x128xf32, #tpu.memory_space<hbm>>) target(%arg10 : memref<112x128xf32, #tpu.memory_space<vmem>>) offsets(%dma_start3A_82 : memref<112xi32, #tpu.memory_space<vmem>>) semaphore(%arg14 : memref<!tpu.dma_semaphore, #tpu.memory_space<semaphore_mem>>)
      } else {
      }
      %mul3A_55 = arith.constant 112 : i32
      %mul3A_56 = arith.muli %add3A_47, %mul3A_55 : i32
      %add3A_57 = arith.addi %mul3A_2, %mul3A_56 : i32
      %dma_wait3A_58 = arith.constant 0 : i32
      %dma_wait3A_59 = tpu.memref_slice %arg7[%add3A_47, %dma_wait3A_58] : memref<14x112xi32, #tpu.memory_space<vmem>> -> memref<1x112xi32, #tpu.memory_space<vmem>>
      %dma_wait3A_60 = tpu.memref_squeeze %dma_wait3A_59 : memref<1x112xi32, #tpu.memory_space<vmem>> -> memref<112xi32, #tpu.memory_space<vmem>>
      %dma_wait3A_61 = arith.constant 0 : i32
      %dma_wait3A_62 = arith.constant 0 : i32
      %dma_wait3A_63 = tpu.memref_slice %arg3[%dma_wait3A_61, %dma_wait3A_62] : memref<100000x128xi32, #tpu.memory_space<hbm>> -> memref<100000x128xi32, #tpu.memory_space<hbm>>
      tpu.wait_indirect_dma semaphore(%arg13 : memref<!tpu.dma_semaphore, #tpu.memory_space<semaphore_mem>>) src(%dma_wait3A_63 : memref<100000x128xi32, #tpu.memory_space<hbm>>) dst(%arg9 : memref<112x128xi32, #tpu.memory_space<vmem>>)
      "tpu.region"() ({
        %run_scoped3A = tpu.sem_alloc : memref<!tpu.dma_semaphore, #tpu.memory_space<semaphore_mem>>
        %dma_start3A_70 = arith.constant 0 : i32
        %dma_start3A_71 = tpu.memref_slice %arg5[%add3A_57, %dma_start3A_70] : memref<50176x128xi32, #tpu.memory_space<hbm>> -> memref<112x128xi32, #tpu.memory_space<hbm>>
        %dma_start3A_72 = arith.constant 0 : i32
        %dma_start3A_73 = tpu.memref_slice %arg5[%add3A_57, %dma_start3A_72] : memref<50176x128xi32, #tpu.memory_space<hbm>> -> memref<112x128xi32, #tpu.memory_space<hbm>>
        tpu.enqueue_dma source(%arg9 : memref<112x128xi32, #tpu.memory_space<vmem>>) target(%dma_start3A_73 : memref<112x128xi32, #tpu.memory_space<hbm>>) target_semaphore(%run_scoped3A : memref<!tpu.dma_semaphore, #tpu.memory_space<semaphore_mem>>)
        %dma_wait3A_74 = arith.constant 0 : i32
        %dma_wait3A_75 = tpu.memref_slice %arg5[%add3A_57, %dma_wait3A_74] : memref<50176x128xi32, #tpu.memory_space<hbm>> -> memref<112x128xi32, #tpu.memory_space<hbm>>
        %dma_wait3A_76 = arith.constant 0 : i32
        %dma_wait3A_77 = tpu.memref_slice %arg5[%add3A_57, %dma_wait3A_76] : memref<50176x128xi32, #tpu.memory_space<hbm>> -> memref<112x128xi32, #tpu.memory_space<hbm>>
        tpu.wait_dma2 semaphore(%run_scoped3A : memref<!tpu.dma_semaphore, #tpu.memory_space<semaphore_mem>>) src(%arg9 : memref<112x128xi32, #tpu.memory_space<vmem>>) dst(%dma_wait3A_77 : memref<112x128xi32, #tpu.memory_space<hbm>>)
        tpu.yield
      }) : () -> ()
      %dma_wait3A_64 = arith.constant 0 : i32
      %dma_wait3A_65 = tpu.memref_slice %arg7[%add3A_47, %dma_wait3A_64] : memref<14x112xi32, #tpu.memory_space<vmem>> -> memref<1x112xi32, #tpu.memory_space<vmem>>
      %dma_wait3A_66 = tpu.memref_squeeze %dma_wait3A_65 : memref<1x112xi32, #tpu.memory_space<vmem>> -> memref<112xi32, #tpu.memory_space<vmem>>
      %dma_wait3A_67 = arith.constant 0 : i32
      %dma_wait3A_68 = arith.constant 0 : i32
      %dma_wait3A_69 = tpu.memref_slice %arg2[%dma_wait3A_67, %dma_wait3A_68] : memref<100000x128xf32, #tpu.memory_space<hbm>> -> memref<100000x128xf32, #tpu.memory_space<hbm>>
      tpu.wait_indirect_dma semaphore(%arg15 : memref<!tpu.dma_semaphore, #tpu.memory_space<semaphore_mem>>) src(%dma_wait3A_69 : memref<100000x128xf32, #tpu.memory_space<hbm>>) dst(%arg11 : memref<112x128xf32, #tpu.memory_space<vmem>>)
      "tpu.region"() ({
        %run_scoped3A = tpu.sem_alloc : memref<!tpu.dma_semaphore, #tpu.memory_space<semaphore_mem>>
        %dma_start3A_70 = arith.constant 0 : i32
        %dma_start3A_71 = tpu.memref_slice %arg6[%add3A_57, %dma_start3A_70] : memref<50176x128xf32, #tpu.memory_space<hbm>> -> memref<112x128xf32, #tpu.memory_space<hbm>>
        %dma_start3A_72 = arith.constant 0 : i32
        %dma_start3A_73 = tpu.memref_slice %arg6[%add3A_57, %dma_start3A_72] : memref<50176x128xf32, #tpu.memory_space<hbm>> -> memref<112x128xf32, #tpu.memory_space<hbm>>
        tpu.enqueue_dma source(%arg11 : memref<112x128xf32, #tpu.memory_space<vmem>>) target(%dma_start3A_73 : memref<112x128xf32, #tpu.memory_space<hbm>>) target_semaphore(%run_scoped3A : memref<!tpu.dma_semaphore, #tpu.memory_space<semaphore_mem>>)
        %dma_wait3A_74 = arith.constant 0 : i32
        %dma_wait3A_75 = tpu.memref_slice %arg6[%add3A_57, %dma_wait3A_74] : memref<50176x128xf32, #tpu.memory_space<hbm>> -> memref<112x128xf32, #tpu.memory_space<hbm>>
        %dma_wait3A_76 = arith.constant 0 : i32
        %dma_wait3A_77 = tpu.memref_slice %arg6[%add3A_57, %dma_wait3A_76] : memref<50176x128xf32, #tpu.memory_space<hbm>> -> memref<112x128xf32, #tpu.memory_space<hbm>>
        tpu.wait_dma2 semaphore(%run_scoped3A : memref<!tpu.dma_semaphore, #tpu.memory_space<semaphore_mem>>) src(%arg11 : memref<112x128xf32, #tpu.memory_space<vmem>>) dst(%dma_wait3A_77 : memref<112x128xf32, #tpu.memory_space<hbm>>)
        tpu.yield
      }) : () -> ()
    }
    %scan3A_20 = arith.constant 7 : i32
    return
  }
}

#map = affine_map<(d0, d1) -> (0, 0)>
#map1 = affine_map<(d0, d1) -> (0, 0, 0, 0)>
module attributes {stable_mosaic.version = 14 : i64} {
  func.func @sage_sc_stage2(%arg0: i32, %arg1: i32, %arg2: memref<100000x128xf32, #tpu.memory_space<hbm>>, %arg3: memref<10x32x14x112xi32, #tpu.memory_space<hbm>>, %arg4: memref<50176x128xf32, #tpu.memory_space<hbm>>, %arg5: memref<10x14x112xi32, #tpu.memory_space<vmem>>, %arg6: memref<112x128xf32, #tpu.memory_space<vmem>>, %arg7: memref<112x128xf32, #tpu.memory_space<vmem>>, %arg8: memref<!tpu.dma_semaphore, #tpu.memory_space<semaphore_mem>>, %arg9: memref<!tpu.dma_semaphore, #tpu.memory_space<semaphore_mem>>, %arg10: memref<!tpu.dma_semaphore, #tpu.memory_space<semaphore_mem>>) attributes {dimension_semantics = [#tpu.dimension_semantics<core_parallel>, #tpu.dimension_semantics<subcore_parallel>], iteration_bounds = array<i64: 2, 16>, scalar_prefetch = 0 : i64, scratch_operands = 6 : i64, tpu.core_type = #tpu.core_type<sc_vector_subcore>, window_params = [{transform_indices = #map}, {transform_indices = #map1}, {transform_indices = #map}]} {
    %mul3A = arith.constant 2 : i32
    %mul3A_0 = arith.muli %arg1, %mul3A : i32
    %add3A = arith.addi %mul3A_0, %arg0 : i32
    %mul3A_1 = arith.constant 1568 : i32
    %mul3A_2 = arith.muli %add3A, %mul3A_1 : i32
    %dma_start3A = arith.constant 0 : i32
    %dma_start3A_3 = arith.constant 0 : i32
    %dma_start3A_4 = arith.constant 0 : i32
    %dma_start3A_5 = arith.constant 0 : i32
    %dma_start3A_6 = tpu.memref_slice %arg5[%dma_start3A_3, %dma_start3A_4, %dma_start3A_5] : memref<10x14x112xi32, #tpu.memory_space<vmem>> -> memref<1x14x112xi32, #tpu.memory_space<vmem>>
    %dma_start3A_7 = tpu.memref_squeeze %dma_start3A_6 : memref<1x14x112xi32, #tpu.memory_space<vmem>> -> memref<14x112xi32, #tpu.memory_space<vmem>>
    %dma_start3A_8 = arith.constant 0 : i32
    %dma_start3A_9 = arith.constant 0 : i32
    %dma_start3A_10 = tpu.memref_slice %arg3[%dma_start3A, %add3A, %dma_start3A_8, %dma_start3A_9] : memref<10x32x14x112xi32, #tpu.memory_space<hbm>> -> memref<1x1x14x112xi32, #tpu.memory_space<hbm>>
    %dma_start3A_11 = tpu.memref_squeeze %dma_start3A_10 : memref<1x1x14x112xi32, #tpu.memory_space<hbm>> -> memref<14x112xi32, #tpu.memory_space<hbm>>
    %dma_start3A_12 = arith.constant 0 : i32
    %dma_start3A_13 = arith.constant 0 : i32
    %dma_start3A_14 = tpu.memref_slice %arg5[%dma_start3A_3, %dma_start3A_12, %dma_start3A_13] : memref<10x14x112xi32, #tpu.memory_space<vmem>> -> memref<1x14x112xi32, #tpu.memory_space<vmem>>
    %dma_start3A_15 = tpu.memref_squeeze %dma_start3A_14 : memref<1x14x112xi32, #tpu.memory_space<vmem>> -> memref<14x112xi32, #tpu.memory_space<vmem>>
    %dma_start3A_16 = arith.constant 0 : i32
    %dma_start3A_17 = arith.constant 0 : i32
    %dma_start3A_18 = tpu.memref_slice %arg3[%dma_start3A, %add3A, %dma_start3A_16, %dma_start3A_17] : memref<10x32x14x112xi32, #tpu.memory_space<hbm>> -> memref<1x1x14x112xi32, #tpu.memory_space<hbm>>
    %dma_start3A_19 = tpu.memref_squeeze %dma_start3A_18 : memref<1x1x14x112xi32, #tpu.memory_space<hbm>> -> memref<14x112xi32, #tpu.memory_space<hbm>>
    tpu.enqueue_dma source(%dma_start3A_19 : memref<14x112xi32, #tpu.memory_space<hbm>>) target(%dma_start3A_15 : memref<14x112xi32, #tpu.memory_space<vmem>>) target_semaphore(%arg8 : memref<!tpu.dma_semaphore, #tpu.memory_space<semaphore_mem>>)
    %dma_start3A_20 = arith.constant 1 : i32
    %dma_start3A_21 = arith.constant 1 : i32
    %dma_start3A_22 = arith.constant 0 : i32
    %dma_start3A_23 = arith.constant 0 : i32
    %dma_start3A_24 = tpu.memref_slice %arg5[%dma_start3A_21, %dma_start3A_22, %dma_start3A_23] : memref<10x14x112xi32, #tpu.memory_space<vmem>> -> memref<1x14x112xi32, #tpu.memory_space<vmem>>
    %dma_start3A_25 = tpu.memref_squeeze %dma_start3A_24 : memref<1x14x112xi32, #tpu.memory_space<vmem>> -> memref<14x112xi32, #tpu.memory_space<vmem>>
    %dma_start3A_26 = arith.constant 0 : i32
    %dma_start3A_27 = arith.constant 0 : i32
    %dma_start3A_28 = tpu.memref_slice %arg3[%dma_start3A_20, %add3A, %dma_start3A_26, %dma_start3A_27] : memref<10x32x14x112xi32, #tpu.memory_space<hbm>> -> memref<1x1x14x112xi32, #tpu.memory_space<hbm>>
    %dma_start3A_29 = tpu.memref_squeeze %dma_start3A_28 : memref<1x1x14x112xi32, #tpu.memory_space<hbm>> -> memref<14x112xi32, #tpu.memory_space<hbm>>
    %dma_start3A_30 = arith.constant 0 : i32
    %dma_start3A_31 = arith.constant 0 : i32
    %dma_start3A_32 = tpu.memref_slice %arg5[%dma_start3A_21, %dma_start3A_30, %dma_start3A_31] : memref<10x14x112xi32, #tpu.memory_space<vmem>> -> memref<1x14x112xi32, #tpu.memory_space<vmem>>
    %dma_start3A_33 = tpu.memref_squeeze %dma_start3A_32 : memref<1x14x112xi32, #tpu.memory_space<vmem>> -> memref<14x112xi32, #tpu.memory_space<vmem>>
    %dma_start3A_34 = arith.constant 0 : i32
    %dma_start3A_35 = arith.constant 0 : i32
    %dma_start3A_36 = tpu.memref_slice %arg3[%dma_start3A_20, %add3A, %dma_start3A_34, %dma_start3A_35] : memref<10x32x14x112xi32, #tpu.memory_space<hbm>> -> memref<1x1x14x112xi32, #tpu.memory_space<hbm>>
    %dma_start3A_37 = tpu.memref_squeeze %dma_start3A_36 : memref<1x1x14x112xi32, #tpu.memory_space<hbm>> -> memref<14x112xi32, #tpu.memory_space<hbm>>
    tpu.enqueue_dma source(%dma_start3A_37 : memref<14x112xi32, #tpu.memory_space<hbm>>) target(%dma_start3A_33 : memref<14x112xi32, #tpu.memory_space<vmem>>) target_semaphore(%arg8 : memref<!tpu.dma_semaphore, #tpu.memory_space<semaphore_mem>>)
    %dma_start3A_38 = arith.constant 2 : i32
    %dma_start3A_39 = arith.constant 2 : i32
    %dma_start3A_40 = arith.constant 0 : i32
    %dma_start3A_41 = arith.constant 0 : i32
    %dma_start3A_42 = tpu.memref_slice %arg5[%dma_start3A_39, %dma_start3A_40, %dma_start3A_41] : memref<10x14x112xi32, #tpu.memory_space<vmem>> -> memref<1x14x112xi32, #tpu.memory_space<vmem>>
    %dma_start3A_43 = tpu.memref_squeeze %dma_start3A_42 : memref<1x14x112xi32, #tpu.memory_space<vmem>> -> memref<14x112xi32, #tpu.memory_space<vmem>>
    %dma_start3A_44 = arith.constant 0 : i32
    %dma_start3A_45 = arith.constant 0 : i32
    %dma_start3A_46 = tpu.memref_slice %arg3[%dma_start3A_38, %add3A, %dma_start3A_44, %dma_start3A_45] : memref<10x32x14x112xi32, #tpu.memory_space<hbm>> -> memref<1x1x14x112xi32, #tpu.memory_space<hbm>>
    %dma_start3A_47 = tpu.memref_squeeze %dma_start3A_46 : memref<1x1x14x112xi32, #tpu.memory_space<hbm>> -> memref<14x112xi32, #tpu.memory_space<hbm>>
    %dma_start3A_48 = arith.constant 0 : i32
    %dma_start3A_49 = arith.constant 0 : i32
    %dma_start3A_50 = tpu.memref_slice %arg5[%dma_start3A_39, %dma_start3A_48, %dma_start3A_49] : memref<10x14x112xi32, #tpu.memory_space<vmem>> -> memref<1x14x112xi32, #tpu.memory_space<vmem>>
    %dma_start3A_51 = tpu.memref_squeeze %dma_start3A_50 : memref<1x14x112xi32, #tpu.memory_space<vmem>> -> memref<14x112xi32, #tpu.memory_space<vmem>>
    %dma_start3A_52 = arith.constant 0 : i32
    %dma_start3A_53 = arith.constant 0 : i32
    %dma_start3A_54 = tpu.memref_slice %arg3[%dma_start3A_38, %add3A, %dma_start3A_52, %dma_start3A_53] : memref<10x32x14x112xi32, #tpu.memory_space<hbm>> -> memref<1x1x14x112xi32, #tpu.memory_space<hbm>>
    %dma_start3A_55 = tpu.memref_squeeze %dma_start3A_54 : memref<1x1x14x112xi32, #tpu.memory_space<hbm>> -> memref<14x112xi32, #tpu.memory_space<hbm>>
    tpu.enqueue_dma source(%dma_start3A_55 : memref<14x112xi32, #tpu.memory_space<hbm>>) target(%dma_start3A_51 : memref<14x112xi32, #tpu.memory_space<vmem>>) target_semaphore(%arg8 : memref<!tpu.dma_semaphore, #tpu.memory_space<semaphore_mem>>)
    %dma_start3A_56 = arith.constant 3 : i32
    %dma_start3A_57 = arith.constant 3 : i32
    %dma_start3A_58 = arith.constant 0 : i32
    %dma_start3A_59 = arith.constant 0 : i32
    %dma_start3A_60 = tpu.memref_slice %arg5[%dma_start3A_57, %dma_start3A_58, %dma_start3A_59] : memref<10x14x112xi32, #tpu.memory_space<vmem>> -> memref<1x14x112xi32, #tpu.memory_space<vmem>>
    %dma_start3A_61 = tpu.memref_squeeze %dma_start3A_60 : memref<1x14x112xi32, #tpu.memory_space<vmem>> -> memref<14x112xi32, #tpu.memory_space<vmem>>
    %dma_start3A_62 = arith.constant 0 : i32
    %dma_start3A_63 = arith.constant 0 : i32
    %dma_start3A_64 = tpu.memref_slice %arg3[%dma_start3A_56, %add3A, %dma_start3A_62, %dma_start3A_63] : memref<10x32x14x112xi32, #tpu.memory_space<hbm>> -> memref<1x1x14x112xi32, #tpu.memory_space<hbm>>
    %dma_start3A_65 = tpu.memref_squeeze %dma_start3A_64 : memref<1x1x14x112xi32, #tpu.memory_space<hbm>> -> memref<14x112xi32, #tpu.memory_space<hbm>>
    %dma_start3A_66 = arith.constant 0 : i32
    %dma_start3A_67 = arith.constant 0 : i32
    %dma_start3A_68 = tpu.memref_slice %arg5[%dma_start3A_57, %dma_start3A_66, %dma_start3A_67] : memref<10x14x112xi32, #tpu.memory_space<vmem>> -> memref<1x14x112xi32, #tpu.memory_space<vmem>>
    %dma_start3A_69 = tpu.memref_squeeze %dma_start3A_68 : memref<1x14x112xi32, #tpu.memory_space<vmem>> -> memref<14x112xi32, #tpu.memory_space<vmem>>
    %dma_start3A_70 = arith.constant 0 : i32
    %dma_start3A_71 = arith.constant 0 : i32
    %dma_start3A_72 = tpu.memref_slice %arg3[%dma_start3A_56, %add3A, %dma_start3A_70, %dma_start3A_71] : memref<10x32x14x112xi32, #tpu.memory_space<hbm>> -> memref<1x1x14x112xi32, #tpu.memory_space<hbm>>
    %dma_start3A_73 = tpu.memref_squeeze %dma_start3A_72 : memref<1x1x14x112xi32, #tpu.memory_space<hbm>> -> memref<14x112xi32, #tpu.memory_space<hbm>>
    tpu.enqueue_dma source(%dma_start3A_73 : memref<14x112xi32, #tpu.memory_space<hbm>>) target(%dma_start3A_69 : memref<14x112xi32, #tpu.memory_space<vmem>>) target_semaphore(%arg8 : memref<!tpu.dma_semaphore, #tpu.memory_space<semaphore_mem>>)
    %dma_start3A_74 = arith.constant 4 : i32
    %dma_start3A_75 = arith.constant 4 : i32
    %dma_start3A_76 = arith.constant 0 : i32
    %dma_start3A_77 = arith.constant 0 : i32
    %dma_start3A_78 = tpu.memref_slice %arg5[%dma_start3A_75, %dma_start3A_76, %dma_start3A_77] : memref<10x14x112xi32, #tpu.memory_space<vmem>> -> memref<1x14x112xi32, #tpu.memory_space<vmem>>
    %dma_start3A_79 = tpu.memref_squeeze %dma_start3A_78 : memref<1x14x112xi32, #tpu.memory_space<vmem>> -> memref<14x112xi32, #tpu.memory_space<vmem>>
    %dma_start3A_80 = arith.constant 0 : i32
    %dma_start3A_81 = arith.constant 0 : i32
    %dma_start3A_82 = tpu.memref_slice %arg3[%dma_start3A_74, %add3A, %dma_start3A_80, %dma_start3A_81] : memref<10x32x14x112xi32, #tpu.memory_space<hbm>> -> memref<1x1x14x112xi32, #tpu.memory_space<hbm>>
    %dma_start3A_83 = tpu.memref_squeeze %dma_start3A_82 : memref<1x1x14x112xi32, #tpu.memory_space<hbm>> -> memref<14x112xi32, #tpu.memory_space<hbm>>
    %dma_start3A_84 = arith.constant 0 : i32
    %dma_start3A_85 = arith.constant 0 : i32
    %dma_start3A_86 = tpu.memref_slice %arg5[%dma_start3A_75, %dma_start3A_84, %dma_start3A_85] : memref<10x14x112xi32, #tpu.memory_space<vmem>> -> memref<1x14x112xi32, #tpu.memory_space<vmem>>
    %dma_start3A_87 = tpu.memref_squeeze %dma_start3A_86 : memref<1x14x112xi32, #tpu.memory_space<vmem>> -> memref<14x112xi32, #tpu.memory_space<vmem>>
    %dma_start3A_88 = arith.constant 0 : i32
    %dma_start3A_89 = arith.constant 0 : i32
    %dma_start3A_90 = tpu.memref_slice %arg3[%dma_start3A_74, %add3A, %dma_start3A_88, %dma_start3A_89] : memref<10x32x14x112xi32, #tpu.memory_space<hbm>> -> memref<1x1x14x112xi32, #tpu.memory_space<hbm>>
    %dma_start3A_91 = tpu.memref_squeeze %dma_start3A_90 : memref<1x1x14x112xi32, #tpu.memory_space<hbm>> -> memref<14x112xi32, #tpu.memory_space<hbm>>
    tpu.enqueue_dma source(%dma_start3A_91 : memref<14x112xi32, #tpu.memory_space<hbm>>) target(%dma_start3A_87 : memref<14x112xi32, #tpu.memory_space<vmem>>) target_semaphore(%arg8 : memref<!tpu.dma_semaphore, #tpu.memory_space<semaphore_mem>>)
    %dma_start3A_92 = arith.constant 5 : i32
    %dma_start3A_93 = arith.constant 5 : i32
    %dma_start3A_94 = arith.constant 0 : i32
    %dma_start3A_95 = arith.constant 0 : i32
    %dma_start3A_96 = tpu.memref_slice %arg5[%dma_start3A_93, %dma_start3A_94, %dma_start3A_95] : memref<10x14x112xi32, #tpu.memory_space<vmem>> -> memref<1x14x112xi32, #tpu.memory_space<vmem>>
    %dma_start3A_97 = tpu.memref_squeeze %dma_start3A_96 : memref<1x14x112xi32, #tpu.memory_space<vmem>> -> memref<14x112xi32, #tpu.memory_space<vmem>>
    %dma_start3A_98 = arith.constant 0 : i32
    %dma_start3A_99 = arith.constant 0 : i32
    %dma_start3A_100 = tpu.memref_slice %arg3[%dma_start3A_92, %add3A, %dma_start3A_98, %dma_start3A_99] : memref<10x32x14x112xi32, #tpu.memory_space<hbm>> -> memref<1x1x14x112xi32, #tpu.memory_space<hbm>>
    %dma_start3A_101 = tpu.memref_squeeze %dma_start3A_100 : memref<1x1x14x112xi32, #tpu.memory_space<hbm>> -> memref<14x112xi32, #tpu.memory_space<hbm>>
    %dma_start3A_102 = arith.constant 0 : i32
    %dma_start3A_103 = arith.constant 0 : i32
    %dma_start3A_104 = tpu.memref_slice %arg5[%dma_start3A_93, %dma_start3A_102, %dma_start3A_103] : memref<10x14x112xi32, #tpu.memory_space<vmem>> -> memref<1x14x112xi32, #tpu.memory_space<vmem>>
    %dma_start3A_105 = tpu.memref_squeeze %dma_start3A_104 : memref<1x14x112xi32, #tpu.memory_space<vmem>> -> memref<14x112xi32, #tpu.memory_space<vmem>>
    %dma_start3A_106 = arith.constant 0 : i32
    %dma_start3A_107 = arith.constant 0 : i32
    %dma_start3A_108 = tpu.memref_slice %arg3[%dma_start3A_92, %add3A, %dma_start3A_106, %dma_start3A_107] : memref<10x32x14x112xi32, #tpu.memory_space<hbm>> -> memref<1x1x14x112xi32, #tpu.memory_space<hbm>>
    %dma_start3A_109 = tpu.memref_squeeze %dma_start3A_108 : memref<1x1x14x112xi32, #tpu.memory_space<hbm>> -> memref<14x112xi32, #tpu.memory_space<hbm>>
    tpu.enqueue_dma source(%dma_start3A_109 : memref<14x112xi32, #tpu.memory_space<hbm>>) target(%dma_start3A_105 : memref<14x112xi32, #tpu.memory_space<vmem>>) target_semaphore(%arg8 : memref<!tpu.dma_semaphore, #tpu.memory_space<semaphore_mem>>)
    %dma_start3A_110 = arith.constant 6 : i32
    %dma_start3A_111 = arith.constant 6 : i32
    %dma_start3A_112 = arith.constant 0 : i32
    %dma_start3A_113 = arith.constant 0 : i32
    %dma_start3A_114 = tpu.memref_slice %arg5[%dma_start3A_111, %dma_start3A_112, %dma_start3A_113] : memref<10x14x112xi32, #tpu.memory_space<vmem>> -> memref<1x14x112xi32, #tpu.memory_space<vmem>>
    %dma_start3A_115 = tpu.memref_squeeze %dma_start3A_114 : memref<1x14x112xi32, #tpu.memory_space<vmem>> -> memref<14x112xi32, #tpu.memory_space<vmem>>
    %dma_start3A_116 = arith.constant 0 : i32
    %dma_start3A_117 = arith.constant 0 : i32
    %dma_start3A_118 = tpu.memref_slice %arg3[%dma_start3A_110, %add3A, %dma_start3A_116, %dma_start3A_117] : memref<10x32x14x112xi32, #tpu.memory_space<hbm>> -> memref<1x1x14x112xi32, #tpu.memory_space<hbm>>
    %dma_start3A_119 = tpu.memref_squeeze %dma_start3A_118 : memref<1x1x14x112xi32, #tpu.memory_space<hbm>> -> memref<14x112xi32, #tpu.memory_space<hbm>>
    %dma_start3A_120 = arith.constant 0 : i32
    %dma_start3A_121 = arith.constant 0 : i32
    %dma_start3A_122 = tpu.memref_slice %arg5[%dma_start3A_111, %dma_start3A_120, %dma_start3A_121] : memref<10x14x112xi32, #tpu.memory_space<vmem>> -> memref<1x14x112xi32, #tpu.memory_space<vmem>>
    %dma_start3A_123 = tpu.memref_squeeze %dma_start3A_122 : memref<1x14x112xi32, #tpu.memory_space<vmem>> -> memref<14x112xi32, #tpu.memory_space<vmem>>
    %dma_start3A_124 = arith.constant 0 : i32
    %dma_start3A_125 = arith.constant 0 : i32
    %dma_start3A_126 = tpu.memref_slice %arg3[%dma_start3A_110, %add3A, %dma_start3A_124, %dma_start3A_125] : memref<10x32x14x112xi32, #tpu.memory_space<hbm>> -> memref<1x1x14x112xi32, #tpu.memory_space<hbm>>
    %dma_start3A_127 = tpu.memref_squeeze %dma_start3A_126 : memref<1x1x14x112xi32, #tpu.memory_space<hbm>> -> memref<14x112xi32, #tpu.memory_space<hbm>>
    tpu.enqueue_dma source(%dma_start3A_127 : memref<14x112xi32, #tpu.memory_space<hbm>>) target(%dma_start3A_123 : memref<14x112xi32, #tpu.memory_space<vmem>>) target_semaphore(%arg8 : memref<!tpu.dma_semaphore, #tpu.memory_space<semaphore_mem>>)
    %dma_start3A_128 = arith.constant 7 : i32
    %dma_start3A_129 = arith.constant 7 : i32
    %dma_start3A_130 = arith.constant 0 : i32
    %dma_start3A_131 = arith.constant 0 : i32
    %dma_start3A_132 = tpu.memref_slice %arg5[%dma_start3A_129, %dma_start3A_130, %dma_start3A_131] : memref<10x14x112xi32, #tpu.memory_space<vmem>> -> memref<1x14x112xi32, #tpu.memory_space<vmem>>
    %dma_start3A_133 = tpu.memref_squeeze %dma_start3A_132 : memref<1x14x112xi32, #tpu.memory_space<vmem>> -> memref<14x112xi32, #tpu.memory_space<vmem>>
    %dma_start3A_134 = arith.constant 0 : i32
    %dma_start3A_135 = arith.constant 0 : i32
    %dma_start3A_136 = tpu.memref_slice %arg3[%dma_start3A_128, %add3A, %dma_start3A_134, %dma_start3A_135] : memref<10x32x14x112xi32, #tpu.memory_space<hbm>> -> memref<1x1x14x112xi32, #tpu.memory_space<hbm>>
    %dma_start3A_137 = tpu.memref_squeeze %dma_start3A_136 : memref<1x1x14x112xi32, #tpu.memory_space<hbm>> -> memref<14x112xi32, #tpu.memory_space<hbm>>
    %dma_start3A_138 = arith.constant 0 : i32
    %dma_start3A_139 = arith.constant 0 : i32
    %dma_start3A_140 = tpu.memref_slice %arg5[%dma_start3A_129, %dma_start3A_138, %dma_start3A_139] : memref<10x14x112xi32, #tpu.memory_space<vmem>> -> memref<1x14x112xi32, #tpu.memory_space<vmem>>
    %dma_start3A_141 = tpu.memref_squeeze %dma_start3A_140 : memref<1x14x112xi32, #tpu.memory_space<vmem>> -> memref<14x112xi32, #tpu.memory_space<vmem>>
    %dma_start3A_142 = arith.constant 0 : i32
    %dma_start3A_143 = arith.constant 0 : i32
    %dma_start3A_144 = tpu.memref_slice %arg3[%dma_start3A_128, %add3A, %dma_start3A_142, %dma_start3A_143] : memref<10x32x14x112xi32, #tpu.memory_space<hbm>> -> memref<1x1x14x112xi32, #tpu.memory_space<hbm>>
    %dma_start3A_145 = tpu.memref_squeeze %dma_start3A_144 : memref<1x1x14x112xi32, #tpu.memory_space<hbm>> -> memref<14x112xi32, #tpu.memory_space<hbm>>
    tpu.enqueue_dma source(%dma_start3A_145 : memref<14x112xi32, #tpu.memory_space<hbm>>) target(%dma_start3A_141 : memref<14x112xi32, #tpu.memory_space<vmem>>) target_semaphore(%arg8 : memref<!tpu.dma_semaphore, #tpu.memory_space<semaphore_mem>>)
    %dma_start3A_146 = arith.constant 8 : i32
    %dma_start3A_147 = arith.constant 8 : i32
    %dma_start3A_148 = arith.constant 0 : i32
    %dma_start3A_149 = arith.constant 0 : i32
    %dma_start3A_150 = tpu.memref_slice %arg5[%dma_start3A_147, %dma_start3A_148, %dma_start3A_149] : memref<10x14x112xi32, #tpu.memory_space<vmem>> -> memref<1x14x112xi32, #tpu.memory_space<vmem>>
    %dma_start3A_151 = tpu.memref_squeeze %dma_start3A_150 : memref<1x14x112xi32, #tpu.memory_space<vmem>> -> memref<14x112xi32, #tpu.memory_space<vmem>>
    %dma_start3A_152 = arith.constant 0 : i32
    %dma_start3A_153 = arith.constant 0 : i32
    %dma_start3A_154 = tpu.memref_slice %arg3[%dma_start3A_146, %add3A, %dma_start3A_152, %dma_start3A_153] : memref<10x32x14x112xi32, #tpu.memory_space<hbm>> -> memref<1x1x14x112xi32, #tpu.memory_space<hbm>>
    %dma_start3A_155 = tpu.memref_squeeze %dma_start3A_154 : memref<1x1x14x112xi32, #tpu.memory_space<hbm>> -> memref<14x112xi32, #tpu.memory_space<hbm>>
    %dma_start3A_156 = arith.constant 0 : i32
    %dma_start3A_157 = arith.constant 0 : i32
    %dma_start3A_158 = tpu.memref_slice %arg5[%dma_start3A_147, %dma_start3A_156, %dma_start3A_157] : memref<10x14x112xi32, #tpu.memory_space<vmem>> -> memref<1x14x112xi32, #tpu.memory_space<vmem>>
    %dma_start3A_159 = tpu.memref_squeeze %dma_start3A_158 : memref<1x14x112xi32, #tpu.memory_space<vmem>> -> memref<14x112xi32, #tpu.memory_space<vmem>>
    %dma_start3A_160 = arith.constant 0 : i32
    %dma_start3A_161 = arith.constant 0 : i32
    %dma_start3A_162 = tpu.memref_slice %arg3[%dma_start3A_146, %add3A, %dma_start3A_160, %dma_start3A_161] : memref<10x32x14x112xi32, #tpu.memory_space<hbm>> -> memref<1x1x14x112xi32, #tpu.memory_space<hbm>>
    %dma_start3A_163 = tpu.memref_squeeze %dma_start3A_162 : memref<1x1x14x112xi32, #tpu.memory_space<hbm>> -> memref<14x112xi32, #tpu.memory_space<hbm>>
    tpu.enqueue_dma source(%dma_start3A_163 : memref<14x112xi32, #tpu.memory_space<hbm>>) target(%dma_start3A_159 : memref<14x112xi32, #tpu.memory_space<vmem>>) target_semaphore(%arg8 : memref<!tpu.dma_semaphore, #tpu.memory_space<semaphore_mem>>)
    %dma_start3A_164 = arith.constant 9 : i32
    %dma_start3A_165 = arith.constant 9 : i32
    %dma_start3A_166 = arith.constant 0 : i32
    %dma_start3A_167 = arith.constant 0 : i32
    %dma_start3A_168 = tpu.memref_slice %arg5[%dma_start3A_165, %dma_start3A_166, %dma_start3A_167] : memref<10x14x112xi32, #tpu.memory_space<vmem>> -> memref<1x14x112xi32, #tpu.memory_space<vmem>>
    %dma_start3A_169 = tpu.memref_squeeze %dma_start3A_168 : memref<1x14x112xi32, #tpu.memory_space<vmem>> -> memref<14x112xi32, #tpu.memory_space<vmem>>
    %dma_start3A_170 = arith.constant 0 : i32
    %dma_start3A_171 = arith.constant 0 : i32
    %dma_start3A_172 = tpu.memref_slice %arg3[%dma_start3A_164, %add3A, %dma_start3A_170, %dma_start3A_171] : memref<10x32x14x112xi32, #tpu.memory_space<hbm>> -> memref<1x1x14x112xi32, #tpu.memory_space<hbm>>
    %dma_start3A_173 = tpu.memref_squeeze %dma_start3A_172 : memref<1x1x14x112xi32, #tpu.memory_space<hbm>> -> memref<14x112xi32, #tpu.memory_space<hbm>>
    %dma_start3A_174 = arith.constant 0 : i32
    %dma_start3A_175 = arith.constant 0 : i32
    %dma_start3A_176 = tpu.memref_slice %arg5[%dma_start3A_165, %dma_start3A_174, %dma_start3A_175] : memref<10x14x112xi32, #tpu.memory_space<vmem>> -> memref<1x14x112xi32, #tpu.memory_space<vmem>>
    %dma_start3A_177 = tpu.memref_squeeze %dma_start3A_176 : memref<1x14x112xi32, #tpu.memory_space<vmem>> -> memref<14x112xi32, #tpu.memory_space<vmem>>
    %dma_start3A_178 = arith.constant 0 : i32
    %dma_start3A_179 = arith.constant 0 : i32
    %dma_start3A_180 = tpu.memref_slice %arg3[%dma_start3A_164, %add3A, %dma_start3A_178, %dma_start3A_179] : memref<10x32x14x112xi32, #tpu.memory_space<hbm>> -> memref<1x1x14x112xi32, #tpu.memory_space<hbm>>
    %dma_start3A_181 = tpu.memref_squeeze %dma_start3A_180 : memref<1x1x14x112xi32, #tpu.memory_space<hbm>> -> memref<14x112xi32, #tpu.memory_space<hbm>>
    tpu.enqueue_dma source(%dma_start3A_181 : memref<14x112xi32, #tpu.memory_space<hbm>>) target(%dma_start3A_177 : memref<14x112xi32, #tpu.memory_space<vmem>>) target_semaphore(%arg8 : memref<!tpu.dma_semaphore, #tpu.memory_space<semaphore_mem>>)
    %dma_wait3A = arith.constant 0 : i32
    %dma_wait3A_182 = arith.constant 0 : i32
    %dma_wait3A_183 = arith.constant 0 : i32
    %dma_wait3A_184 = arith.constant 0 : i32
    %dma_wait3A_185 = tpu.memref_slice %arg5[%dma_wait3A_182, %dma_wait3A_183, %dma_wait3A_184] : memref<10x14x112xi32, #tpu.memory_space<vmem>> -> memref<1x14x112xi32, #tpu.memory_space<vmem>>
    %dma_wait3A_186 = tpu.memref_squeeze %dma_wait3A_185 : memref<1x14x112xi32, #tpu.memory_space<vmem>> -> memref<14x112xi32, #tpu.memory_space<vmem>>
    %dma_wait3A_187 = arith.constant 0 : i32
    %dma_wait3A_188 = arith.constant 0 : i32
    %dma_wait3A_189 = tpu.memref_slice %arg3[%dma_wait3A, %add3A, %dma_wait3A_187, %dma_wait3A_188] : memref<10x32x14x112xi32, #tpu.memory_space<hbm>> -> memref<1x1x14x112xi32, #tpu.memory_space<hbm>>
    %dma_wait3A_190 = tpu.memref_squeeze %dma_wait3A_189 : memref<1x1x14x112xi32, #tpu.memory_space<hbm>> -> memref<14x112xi32, #tpu.memory_space<hbm>>
    %dma_wait3A_191 = arith.constant 0 : i32
    %dma_wait3A_192 = arith.constant 0 : i32
    %dma_wait3A_193 = tpu.memref_slice %arg5[%dma_wait3A_182, %dma_wait3A_191, %dma_wait3A_192] : memref<10x14x112xi32, #tpu.memory_space<vmem>> -> memref<1x14x112xi32, #tpu.memory_space<vmem>>
    %dma_wait3A_194 = tpu.memref_squeeze %dma_wait3A_193 : memref<1x14x112xi32, #tpu.memory_space<vmem>> -> memref<14x112xi32, #tpu.memory_space<vmem>>
    %dma_wait3A_195 = arith.constant 0 : i32
    %dma_wait3A_196 = arith.constant 0 : i32
    %dma_wait3A_197 = tpu.memref_slice %arg3[%dma_wait3A, %add3A, %dma_wait3A_195, %dma_wait3A_196] : memref<10x32x14x112xi32, #tpu.memory_space<hbm>> -> memref<1x1x14x112xi32, #tpu.memory_space<hbm>>
    %dma_wait3A_198 = tpu.memref_squeeze %dma_wait3A_197 : memref<1x1x14x112xi32, #tpu.memory_space<hbm>> -> memref<14x112xi32, #tpu.memory_space<hbm>>
    tpu.wait_dma2 semaphore(%arg8 : memref<!tpu.dma_semaphore, #tpu.memory_space<semaphore_mem>>) src(%dma_wait3A_198 : memref<14x112xi32, #tpu.memory_space<hbm>>) dst(%dma_wait3A_194 : memref<14x112xi32, #tpu.memory_space<vmem>>)
    %dma_wait3A_199 = arith.constant 1 : i32
    %dma_wait3A_200 = arith.constant 1 : i32
    %dma_wait3A_201 = arith.constant 0 : i32
    %dma_wait3A_202 = arith.constant 0 : i32
    %dma_wait3A_203 = tpu.memref_slice %arg5[%dma_wait3A_200, %dma_wait3A_201, %dma_wait3A_202] : memref<10x14x112xi32, #tpu.memory_space<vmem>> -> memref<1x14x112xi32, #tpu.memory_space<vmem>>
    %dma_wait3A_204 = tpu.memref_squeeze %dma_wait3A_203 : memref<1x14x112xi32, #tpu.memory_space<vmem>> -> memref<14x112xi32, #tpu.memory_space<vmem>>
    %dma_wait3A_205 = arith.constant 0 : i32
    %dma_wait3A_206 = arith.constant 0 : i32
    %dma_wait3A_207 = tpu.memref_slice %arg3[%dma_wait3A_199, %add3A, %dma_wait3A_205, %dma_wait3A_206] : memref<10x32x14x112xi32, #tpu.memory_space<hbm>> -> memref<1x1x14x112xi32, #tpu.memory_space<hbm>>
    %dma_wait3A_208 = tpu.memref_squeeze %dma_wait3A_207 : memref<1x1x14x112xi32, #tpu.memory_space<hbm>> -> memref<14x112xi32, #tpu.memory_space<hbm>>
    %dma_wait3A_209 = arith.constant 0 : i32
    %dma_wait3A_210 = arith.constant 0 : i32
    %dma_wait3A_211 = tpu.memref_slice %arg5[%dma_wait3A_200, %dma_wait3A_209, %dma_wait3A_210] : memref<10x14x112xi32, #tpu.memory_space<vmem>> -> memref<1x14x112xi32, #tpu.memory_space<vmem>>
    %dma_wait3A_212 = tpu.memref_squeeze %dma_wait3A_211 : memref<1x14x112xi32, #tpu.memory_space<vmem>> -> memref<14x112xi32, #tpu.memory_space<vmem>>
    %dma_wait3A_213 = arith.constant 0 : i32
    %dma_wait3A_214 = arith.constant 0 : i32
    %dma_wait3A_215 = tpu.memref_slice %arg3[%dma_wait3A_199, %add3A, %dma_wait3A_213, %dma_wait3A_214] : memref<10x32x14x112xi32, #tpu.memory_space<hbm>> -> memref<1x1x14x112xi32, #tpu.memory_space<hbm>>
    %dma_wait3A_216 = tpu.memref_squeeze %dma_wait3A_215 : memref<1x1x14x112xi32, #tpu.memory_space<hbm>> -> memref<14x112xi32, #tpu.memory_space<hbm>>
    tpu.wait_dma2 semaphore(%arg8 : memref<!tpu.dma_semaphore, #tpu.memory_space<semaphore_mem>>) src(%dma_wait3A_216 : memref<14x112xi32, #tpu.memory_space<hbm>>) dst(%dma_wait3A_212 : memref<14x112xi32, #tpu.memory_space<vmem>>)
    %dma_wait3A_217 = arith.constant 2 : i32
    %dma_wait3A_218 = arith.constant 2 : i32
    %dma_wait3A_219 = arith.constant 0 : i32
    %dma_wait3A_220 = arith.constant 0 : i32
    %dma_wait3A_221 = tpu.memref_slice %arg5[%dma_wait3A_218, %dma_wait3A_219, %dma_wait3A_220] : memref<10x14x112xi32, #tpu.memory_space<vmem>> -> memref<1x14x112xi32, #tpu.memory_space<vmem>>
    %dma_wait3A_222 = tpu.memref_squeeze %dma_wait3A_221 : memref<1x14x112xi32, #tpu.memory_space<vmem>> -> memref<14x112xi32, #tpu.memory_space<vmem>>
    %dma_wait3A_223 = arith.constant 0 : i32
    %dma_wait3A_224 = arith.constant 0 : i32
    %dma_wait3A_225 = tpu.memref_slice %arg3[%dma_wait3A_217, %add3A, %dma_wait3A_223, %dma_wait3A_224] : memref<10x32x14x112xi32, #tpu.memory_space<hbm>> -> memref<1x1x14x112xi32, #tpu.memory_space<hbm>>
    %dma_wait3A_226 = tpu.memref_squeeze %dma_wait3A_225 : memref<1x1x14x112xi32, #tpu.memory_space<hbm>> -> memref<14x112xi32, #tpu.memory_space<hbm>>
    %dma_wait3A_227 = arith.constant 0 : i32
    %dma_wait3A_228 = arith.constant 0 : i32
    %dma_wait3A_229 = tpu.memref_slice %arg5[%dma_wait3A_218, %dma_wait3A_227, %dma_wait3A_228] : memref<10x14x112xi32, #tpu.memory_space<vmem>> -> memref<1x14x112xi32, #tpu.memory_space<vmem>>
    %dma_wait3A_230 = tpu.memref_squeeze %dma_wait3A_229 : memref<1x14x112xi32, #tpu.memory_space<vmem>> -> memref<14x112xi32, #tpu.memory_space<vmem>>
    %dma_wait3A_231 = arith.constant 0 : i32
    %dma_wait3A_232 = arith.constant 0 : i32
    %dma_wait3A_233 = tpu.memref_slice %arg3[%dma_wait3A_217, %add3A, %dma_wait3A_231, %dma_wait3A_232] : memref<10x32x14x112xi32, #tpu.memory_space<hbm>> -> memref<1x1x14x112xi32, #tpu.memory_space<hbm>>
    %dma_wait3A_234 = tpu.memref_squeeze %dma_wait3A_233 : memref<1x1x14x112xi32, #tpu.memory_space<hbm>> -> memref<14x112xi32, #tpu.memory_space<hbm>>
    tpu.wait_dma2 semaphore(%arg8 : memref<!tpu.dma_semaphore, #tpu.memory_space<semaphore_mem>>) src(%dma_wait3A_234 : memref<14x112xi32, #tpu.memory_space<hbm>>) dst(%dma_wait3A_230 : memref<14x112xi32, #tpu.memory_space<vmem>>)
    %dma_wait3A_235 = arith.constant 3 : i32
    %dma_wait3A_236 = arith.constant 3 : i32
    %dma_wait3A_237 = arith.constant 0 : i32
    %dma_wait3A_238 = arith.constant 0 : i32
    %dma_wait3A_239 = tpu.memref_slice %arg5[%dma_wait3A_236, %dma_wait3A_237, %dma_wait3A_238] : memref<10x14x112xi32, #tpu.memory_space<vmem>> -> memref<1x14x112xi32, #tpu.memory_space<vmem>>
    %dma_wait3A_240 = tpu.memref_squeeze %dma_wait3A_239 : memref<1x14x112xi32, #tpu.memory_space<vmem>> -> memref<14x112xi32, #tpu.memory_space<vmem>>
    %dma_wait3A_241 = arith.constant 0 : i32
    %dma_wait3A_242 = arith.constant 0 : i32
    %dma_wait3A_243 = tpu.memref_slice %arg3[%dma_wait3A_235, %add3A, %dma_wait3A_241, %dma_wait3A_242] : memref<10x32x14x112xi32, #tpu.memory_space<hbm>> -> memref<1x1x14x112xi32, #tpu.memory_space<hbm>>
    %dma_wait3A_244 = tpu.memref_squeeze %dma_wait3A_243 : memref<1x1x14x112xi32, #tpu.memory_space<hbm>> -> memref<14x112xi32, #tpu.memory_space<hbm>>
    %dma_wait3A_245 = arith.constant 0 : i32
    %dma_wait3A_246 = arith.constant 0 : i32
    %dma_wait3A_247 = tpu.memref_slice %arg5[%dma_wait3A_236, %dma_wait3A_245, %dma_wait3A_246] : memref<10x14x112xi32, #tpu.memory_space<vmem>> -> memref<1x14x112xi32, #tpu.memory_space<vmem>>
    %dma_wait3A_248 = tpu.memref_squeeze %dma_wait3A_247 : memref<1x14x112xi32, #tpu.memory_space<vmem>> -> memref<14x112xi32, #tpu.memory_space<vmem>>
    %dma_wait3A_249 = arith.constant 0 : i32
    %dma_wait3A_250 = arith.constant 0 : i32
    %dma_wait3A_251 = tpu.memref_slice %arg3[%dma_wait3A_235, %add3A, %dma_wait3A_249, %dma_wait3A_250] : memref<10x32x14x112xi32, #tpu.memory_space<hbm>> -> memref<1x1x14x112xi32, #tpu.memory_space<hbm>>
    %dma_wait3A_252 = tpu.memref_squeeze %dma_wait3A_251 : memref<1x1x14x112xi32, #tpu.memory_space<hbm>> -> memref<14x112xi32, #tpu.memory_space<hbm>>
    tpu.wait_dma2 semaphore(%arg8 : memref<!tpu.dma_semaphore, #tpu.memory_space<semaphore_mem>>) src(%dma_wait3A_252 : memref<14x112xi32, #tpu.memory_space<hbm>>) dst(%dma_wait3A_248 : memref<14x112xi32, #tpu.memory_space<vmem>>)
    %dma_wait3A_253 = arith.constant 4 : i32
    %dma_wait3A_254 = arith.constant 4 : i32
    %dma_wait3A_255 = arith.constant 0 : i32
    %dma_wait3A_256 = arith.constant 0 : i32
    %dma_wait3A_257 = tpu.memref_slice %arg5[%dma_wait3A_254, %dma_wait3A_255, %dma_wait3A_256] : memref<10x14x112xi32, #tpu.memory_space<vmem>> -> memref<1x14x112xi32, #tpu.memory_space<vmem>>
    %dma_wait3A_258 = tpu.memref_squeeze %dma_wait3A_257 : memref<1x14x112xi32, #tpu.memory_space<vmem>> -> memref<14x112xi32, #tpu.memory_space<vmem>>
    %dma_wait3A_259 = arith.constant 0 : i32
    %dma_wait3A_260 = arith.constant 0 : i32
    %dma_wait3A_261 = tpu.memref_slice %arg3[%dma_wait3A_253, %add3A, %dma_wait3A_259, %dma_wait3A_260] : memref<10x32x14x112xi32, #tpu.memory_space<hbm>> -> memref<1x1x14x112xi32, #tpu.memory_space<hbm>>
    %dma_wait3A_262 = tpu.memref_squeeze %dma_wait3A_261 : memref<1x1x14x112xi32, #tpu.memory_space<hbm>> -> memref<14x112xi32, #tpu.memory_space<hbm>>
    %dma_wait3A_263 = arith.constant 0 : i32
    %dma_wait3A_264 = arith.constant 0 : i32
    %dma_wait3A_265 = tpu.memref_slice %arg5[%dma_wait3A_254, %dma_wait3A_263, %dma_wait3A_264] : memref<10x14x112xi32, #tpu.memory_space<vmem>> -> memref<1x14x112xi32, #tpu.memory_space<vmem>>
    %dma_wait3A_266 = tpu.memref_squeeze %dma_wait3A_265 : memref<1x14x112xi32, #tpu.memory_space<vmem>> -> memref<14x112xi32, #tpu.memory_space<vmem>>
    %dma_wait3A_267 = arith.constant 0 : i32
    %dma_wait3A_268 = arith.constant 0 : i32
    %dma_wait3A_269 = tpu.memref_slice %arg3[%dma_wait3A_253, %add3A, %dma_wait3A_267, %dma_wait3A_268] : memref<10x32x14x112xi32, #tpu.memory_space<hbm>> -> memref<1x1x14x112xi32, #tpu.memory_space<hbm>>
    %dma_wait3A_270 = tpu.memref_squeeze %dma_wait3A_269 : memref<1x1x14x112xi32, #tpu.memory_space<hbm>> -> memref<14x112xi32, #tpu.memory_space<hbm>>
    tpu.wait_dma2 semaphore(%arg8 : memref<!tpu.dma_semaphore, #tpu.memory_space<semaphore_mem>>) src(%dma_wait3A_270 : memref<14x112xi32, #tpu.memory_space<hbm>>) dst(%dma_wait3A_266 : memref<14x112xi32, #tpu.memory_space<vmem>>)
    %dma_wait3A_271 = arith.constant 5 : i32
    %dma_wait3A_272 = arith.constant 5 : i32
    %dma_wait3A_273 = arith.constant 0 : i32
    %dma_wait3A_274 = arith.constant 0 : i32
    %dma_wait3A_275 = tpu.memref_slice %arg5[%dma_wait3A_272, %dma_wait3A_273, %dma_wait3A_274] : memref<10x14x112xi32, #tpu.memory_space<vmem>> -> memref<1x14x112xi32, #tpu.memory_space<vmem>>
    %dma_wait3A_276 = tpu.memref_squeeze %dma_wait3A_275 : memref<1x14x112xi32, #tpu.memory_space<vmem>> -> memref<14x112xi32, #tpu.memory_space<vmem>>
    %dma_wait3A_277 = arith.constant 0 : i32
    %dma_wait3A_278 = arith.constant 0 : i32
    %dma_wait3A_279 = tpu.memref_slice %arg3[%dma_wait3A_271, %add3A, %dma_wait3A_277, %dma_wait3A_278] : memref<10x32x14x112xi32, #tpu.memory_space<hbm>> -> memref<1x1x14x112xi32, #tpu.memory_space<hbm>>
    %dma_wait3A_280 = tpu.memref_squeeze %dma_wait3A_279 : memref<1x1x14x112xi32, #tpu.memory_space<hbm>> -> memref<14x112xi32, #tpu.memory_space<hbm>>
    %dma_wait3A_281 = arith.constant 0 : i32
    %dma_wait3A_282 = arith.constant 0 : i32
    %dma_wait3A_283 = tpu.memref_slice %arg5[%dma_wait3A_272, %dma_wait3A_281, %dma_wait3A_282] : memref<10x14x112xi32, #tpu.memory_space<vmem>> -> memref<1x14x112xi32, #tpu.memory_space<vmem>>
    %dma_wait3A_284 = tpu.memref_squeeze %dma_wait3A_283 : memref<1x14x112xi32, #tpu.memory_space<vmem>> -> memref<14x112xi32, #tpu.memory_space<vmem>>
    %dma_wait3A_285 = arith.constant 0 : i32
    %dma_wait3A_286 = arith.constant 0 : i32
    %dma_wait3A_287 = tpu.memref_slice %arg3[%dma_wait3A_271, %add3A, %dma_wait3A_285, %dma_wait3A_286] : memref<10x32x14x112xi32, #tpu.memory_space<hbm>> -> memref<1x1x14x112xi32, #tpu.memory_space<hbm>>
    %dma_wait3A_288 = tpu.memref_squeeze %dma_wait3A_287 : memref<1x1x14x112xi32, #tpu.memory_space<hbm>> -> memref<14x112xi32, #tpu.memory_space<hbm>>
    tpu.wait_dma2 semaphore(%arg8 : memref<!tpu.dma_semaphore, #tpu.memory_space<semaphore_mem>>) src(%dma_wait3A_288 : memref<14x112xi32, #tpu.memory_space<hbm>>) dst(%dma_wait3A_284 : memref<14x112xi32, #tpu.memory_space<vmem>>)
    %dma_wait3A_289 = arith.constant 6 : i32
    %dma_wait3A_290 = arith.constant 6 : i32
    %dma_wait3A_291 = arith.constant 0 : i32
    %dma_wait3A_292 = arith.constant 0 : i32
    %dma_wait3A_293 = tpu.memref_slice %arg5[%dma_wait3A_290, %dma_wait3A_291, %dma_wait3A_292] : memref<10x14x112xi32, #tpu.memory_space<vmem>> -> memref<1x14x112xi32, #tpu.memory_space<vmem>>
    %dma_wait3A_294 = tpu.memref_squeeze %dma_wait3A_293 : memref<1x14x112xi32, #tpu.memory_space<vmem>> -> memref<14x112xi32, #tpu.memory_space<vmem>>
    %dma_wait3A_295 = arith.constant 0 : i32
    %dma_wait3A_296 = arith.constant 0 : i32
    %dma_wait3A_297 = tpu.memref_slice %arg3[%dma_wait3A_289, %add3A, %dma_wait3A_295, %dma_wait3A_296] : memref<10x32x14x112xi32, #tpu.memory_space<hbm>> -> memref<1x1x14x112xi32, #tpu.memory_space<hbm>>
    %dma_wait3A_298 = tpu.memref_squeeze %dma_wait3A_297 : memref<1x1x14x112xi32, #tpu.memory_space<hbm>> -> memref<14x112xi32, #tpu.memory_space<hbm>>
    %dma_wait3A_299 = arith.constant 0 : i32
    %dma_wait3A_300 = arith.constant 0 : i32
    %dma_wait3A_301 = tpu.memref_slice %arg5[%dma_wait3A_290, %dma_wait3A_299, %dma_wait3A_300] : memref<10x14x112xi32, #tpu.memory_space<vmem>> -> memref<1x14x112xi32, #tpu.memory_space<vmem>>
    %dma_wait3A_302 = tpu.memref_squeeze %dma_wait3A_301 : memref<1x14x112xi32, #tpu.memory_space<vmem>> -> memref<14x112xi32, #tpu.memory_space<vmem>>
    %dma_wait3A_303 = arith.constant 0 : i32
    %dma_wait3A_304 = arith.constant 0 : i32
    %dma_wait3A_305 = tpu.memref_slice %arg3[%dma_wait3A_289, %add3A, %dma_wait3A_303, %dma_wait3A_304] : memref<10x32x14x112xi32, #tpu.memory_space<hbm>> -> memref<1x1x14x112xi32, #tpu.memory_space<hbm>>
    %dma_wait3A_306 = tpu.memref_squeeze %dma_wait3A_305 : memref<1x1x14x112xi32, #tpu.memory_space<hbm>> -> memref<14x112xi32, #tpu.memory_space<hbm>>
    tpu.wait_dma2 semaphore(%arg8 : memref<!tpu.dma_semaphore, #tpu.memory_space<semaphore_mem>>) src(%dma_wait3A_306 : memref<14x112xi32, #tpu.memory_space<hbm>>) dst(%dma_wait3A_302 : memref<14x112xi32, #tpu.memory_space<vmem>>)
    %dma_wait3A_307 = arith.constant 7 : i32
    %dma_wait3A_308 = arith.constant 7 : i32
    %dma_wait3A_309 = arith.constant 0 : i32
    %dma_wait3A_310 = arith.constant 0 : i32
    %dma_wait3A_311 = tpu.memref_slice %arg5[%dma_wait3A_308, %dma_wait3A_309, %dma_wait3A_310] : memref<10x14x112xi32, #tpu.memory_space<vmem>> -> memref<1x14x112xi32, #tpu.memory_space<vmem>>
    %dma_wait3A_312 = tpu.memref_squeeze %dma_wait3A_311 : memref<1x14x112xi32, #tpu.memory_space<vmem>> -> memref<14x112xi32, #tpu.memory_space<vmem>>
    %dma_wait3A_313 = arith.constant 0 : i32
    %dma_wait3A_314 = arith.constant 0 : i32
    %dma_wait3A_315 = tpu.memref_slice %arg3[%dma_wait3A_307, %add3A, %dma_wait3A_313, %dma_wait3A_314] : memref<10x32x14x112xi32, #tpu.memory_space<hbm>> -> memref<1x1x14x112xi32, #tpu.memory_space<hbm>>
    %dma_wait3A_316 = tpu.memref_squeeze %dma_wait3A_315 : memref<1x1x14x112xi32, #tpu.memory_space<hbm>> -> memref<14x112xi32, #tpu.memory_space<hbm>>
    %dma_wait3A_317 = arith.constant 0 : i32
    %dma_wait3A_318 = arith.constant 0 : i32
    %dma_wait3A_319 = tpu.memref_slice %arg5[%dma_wait3A_308, %dma_wait3A_317, %dma_wait3A_318] : memref<10x14x112xi32, #tpu.memory_space<vmem>> -> memref<1x14x112xi32, #tpu.memory_space<vmem>>
    %dma_wait3A_320 = tpu.memref_squeeze %dma_wait3A_319 : memref<1x14x112xi32, #tpu.memory_space<vmem>> -> memref<14x112xi32, #tpu.memory_space<vmem>>
    %dma_wait3A_321 = arith.constant 0 : i32
    %dma_wait3A_322 = arith.constant 0 : i32
    %dma_wait3A_323 = tpu.memref_slice %arg3[%dma_wait3A_307, %add3A, %dma_wait3A_321, %dma_wait3A_322] : memref<10x32x14x112xi32, #tpu.memory_space<hbm>> -> memref<1x1x14x112xi32, #tpu.memory_space<hbm>>
    %dma_wait3A_324 = tpu.memref_squeeze %dma_wait3A_323 : memref<1x1x14x112xi32, #tpu.memory_space<hbm>> -> memref<14x112xi32, #tpu.memory_space<hbm>>
    tpu.wait_dma2 semaphore(%arg8 : memref<!tpu.dma_semaphore, #tpu.memory_space<semaphore_mem>>) src(%dma_wait3A_324 : memref<14x112xi32, #tpu.memory_space<hbm>>) dst(%dma_wait3A_320 : memref<14x112xi32, #tpu.memory_space<vmem>>)
    %dma_wait3A_325 = arith.constant 8 : i32
    %dma_wait3A_326 = arith.constant 8 : i32
    %dma_wait3A_327 = arith.constant 0 : i32
    %dma_wait3A_328 = arith.constant 0 : i32
    %dma_wait3A_329 = tpu.memref_slice %arg5[%dma_wait3A_326, %dma_wait3A_327, %dma_wait3A_328] : memref<10x14x112xi32, #tpu.memory_space<vmem>> -> memref<1x14x112xi32, #tpu.memory_space<vmem>>
    %dma_wait3A_330 = tpu.memref_squeeze %dma_wait3A_329 : memref<1x14x112xi32, #tpu.memory_space<vmem>> -> memref<14x112xi32, #tpu.memory_space<vmem>>
    %dma_wait3A_331 = arith.constant 0 : i32
    %dma_wait3A_332 = arith.constant 0 : i32
    %dma_wait3A_333 = tpu.memref_slice %arg3[%dma_wait3A_325, %add3A, %dma_wait3A_331, %dma_wait3A_332] : memref<10x32x14x112xi32, #tpu.memory_space<hbm>> -> memref<1x1x14x112xi32, #tpu.memory_space<hbm>>
    %dma_wait3A_334 = tpu.memref_squeeze %dma_wait3A_333 : memref<1x1x14x112xi32, #tpu.memory_space<hbm>> -> memref<14x112xi32, #tpu.memory_space<hbm>>
    %dma_wait3A_335 = arith.constant 0 : i32
    %dma_wait3A_336 = arith.constant 0 : i32
    %dma_wait3A_337 = tpu.memref_slice %arg5[%dma_wait3A_326, %dma_wait3A_335, %dma_wait3A_336] : memref<10x14x112xi32, #tpu.memory_space<vmem>> -> memref<1x14x112xi32, #tpu.memory_space<vmem>>
    %dma_wait3A_338 = tpu.memref_squeeze %dma_wait3A_337 : memref<1x14x112xi32, #tpu.memory_space<vmem>> -> memref<14x112xi32, #tpu.memory_space<vmem>>
    %dma_wait3A_339 = arith.constant 0 : i32
    %dma_wait3A_340 = arith.constant 0 : i32
    %dma_wait3A_341 = tpu.memref_slice %arg3[%dma_wait3A_325, %add3A, %dma_wait3A_339, %dma_wait3A_340] : memref<10x32x14x112xi32, #tpu.memory_space<hbm>> -> memref<1x1x14x112xi32, #tpu.memory_space<hbm>>
    %dma_wait3A_342 = tpu.memref_squeeze %dma_wait3A_341 : memref<1x1x14x112xi32, #tpu.memory_space<hbm>> -> memref<14x112xi32, #tpu.memory_space<hbm>>
    tpu.wait_dma2 semaphore(%arg8 : memref<!tpu.dma_semaphore, #tpu.memory_space<semaphore_mem>>) src(%dma_wait3A_342 : memref<14x112xi32, #tpu.memory_space<hbm>>) dst(%dma_wait3A_338 : memref<14x112xi32, #tpu.memory_space<vmem>>)
    %dma_wait3A_343 = arith.constant 9 : i32
    %dma_wait3A_344 = arith.constant 9 : i32
    %dma_wait3A_345 = arith.constant 0 : i32
    %dma_wait3A_346 = arith.constant 0 : i32
    %dma_wait3A_347 = tpu.memref_slice %arg5[%dma_wait3A_344, %dma_wait3A_345, %dma_wait3A_346] : memref<10x14x112xi32, #tpu.memory_space<vmem>> -> memref<1x14x112xi32, #tpu.memory_space<vmem>>
    %dma_wait3A_348 = tpu.memref_squeeze %dma_wait3A_347 : memref<1x14x112xi32, #tpu.memory_space<vmem>> -> memref<14x112xi32, #tpu.memory_space<vmem>>
    %dma_wait3A_349 = arith.constant 0 : i32
    %dma_wait3A_350 = arith.constant 0 : i32
    %dma_wait3A_351 = tpu.memref_slice %arg3[%dma_wait3A_343, %add3A, %dma_wait3A_349, %dma_wait3A_350] : memref<10x32x14x112xi32, #tpu.memory_space<hbm>> -> memref<1x1x14x112xi32, #tpu.memory_space<hbm>>
    %dma_wait3A_352 = tpu.memref_squeeze %dma_wait3A_351 : memref<1x1x14x112xi32, #tpu.memory_space<hbm>> -> memref<14x112xi32, #tpu.memory_space<hbm>>
    %dma_wait3A_353 = arith.constant 0 : i32
    %dma_wait3A_354 = arith.constant 0 : i32
    %dma_wait3A_355 = tpu.memref_slice %arg5[%dma_wait3A_344, %dma_wait3A_353, %dma_wait3A_354] : memref<10x14x112xi32, #tpu.memory_space<vmem>> -> memref<1x14x112xi32, #tpu.memory_space<vmem>>
    %dma_wait3A_356 = tpu.memref_squeeze %dma_wait3A_355 : memref<1x14x112xi32, #tpu.memory_space<vmem>> -> memref<14x112xi32, #tpu.memory_space<vmem>>
    %dma_wait3A_357 = arith.constant 0 : i32
    %dma_wait3A_358 = arith.constant 0 : i32
    %dma_wait3A_359 = tpu.memref_slice %arg3[%dma_wait3A_343, %add3A, %dma_wait3A_357, %dma_wait3A_358] : memref<10x32x14x112xi32, #tpu.memory_space<hbm>> -> memref<1x1x14x112xi32, #tpu.memory_space<hbm>>
    %dma_wait3A_360 = tpu.memref_squeeze %dma_wait3A_359 : memref<1x1x14x112xi32, #tpu.memory_space<hbm>> -> memref<14x112xi32, #tpu.memory_space<hbm>>
    tpu.wait_dma2 semaphore(%arg8 : memref<!tpu.dma_semaphore, #tpu.memory_space<semaphore_mem>>) src(%dma_wait3A_360 : memref<14x112xi32, #tpu.memory_space<hbm>>) dst(%dma_wait3A_356 : memref<14x112xi32, #tpu.memory_space<vmem>>)
    %broadcast_in_dim3A = arith.constant 0.000000e+00 : f32
    %broadcast_in_dim3A_361 = vector.broadcast %broadcast_in_dim3A : f32 to vector<16xf32>
    %scan3A = arith.constant 0 : i32
    %scan3A_362 = arith.constant 0 : i32
    %scan3A_363 = arith.constant 112 : i32
    %scan3A_364 = arith.addi %scan3A_362, %scan3A_363 : i32
    %scan3A_365 = arith.constant 1 : i32
    scf.for %scan3A_453 = %scan3A_362 to %scan3A_364 step %scan3A_365  : i32 {
      %swap3A = arith.index_cast %scan3A_453 : i32 to index
      %swap3A_454 = arith.constant 0 : index
      %swap3A_455 = tpu.vector_load %arg6[%swap3A, %swap3A_454] {strides = array<i32>} : memref<112x128xf32, #tpu.memory_space<vmem>>, vector<1x16xf32>,
      %swap3A_456 = vector.shape_cast %swap3A_455 : vector<1x16xf32> to vector<16xf32>
      %swap3A_457 = vector.shape_cast %broadcast_in_dim3A_361 : vector<16xf32> to vector<1x16xf32>
      tpu.vector_store %arg6[%swap3A, %swap3A_454], %swap3A_457 {strides = array<i32>} : memref<112x128xf32, #tpu.memory_space<vmem>>, vector<1x16xf32>,
      %swap3A_458 = arith.index_cast %scan3A_453 : i32 to index
      %swap3A_459 = arith.constant 16 : index
      %swap3A_460 = tpu.vector_load %arg6[%swap3A_458, %swap3A_459] {strides = array<i32>} : memref<112x128xf32, #tpu.memory_space<vmem>>, vector<1x16xf32>,
      %swap3A_461 = vector.shape_cast %swap3A_460 : vector<1x16xf32> to vector<16xf32>
      %swap3A_462 = vector.shape_cast %broadcast_in_dim3A_361 : vector<16xf32> to vector<1x16xf32>
      tpu.vector_store %arg6[%swap3A_458, %swap3A_459], %swap3A_462 {strides = array<i32>} : memref<112x128xf32, #tpu.memory_space<vmem>>, vector<1x16xf32>,
      %swap3A_463 = arith.index_cast %scan3A_453 : i32 to index
      %swap3A_464 = arith.constant 32 : index
      %swap3A_465 = tpu.vector_load %arg6[%swap3A_463, %swap3A_464] {strides = array<i32>} : memref<112x128xf32, #tpu.memory_space<vmem>>, vector<1x16xf32>,
      %swap3A_466 = vector.shape_cast %swap3A_465 : vector<1x16xf32> to vector<16xf32>
      %swap3A_467 = vector.shape_cast %broadcast_in_dim3A_361 : vector<16xf32> to vector<1x16xf32>
      tpu.vector_store %arg6[%swap3A_463, %swap3A_464], %swap3A_467 {strides = array<i32>} : memref<112x128xf32, #tpu.memory_space<vmem>>, vector<1x16xf32>,
      %swap3A_468 = arith.index_cast %scan3A_453 : i32 to index
      %swap3A_469 = arith.constant 48 : index
      %swap3A_470 = tpu.vector_load %arg6[%swap3A_468, %swap3A_469] {strides = array<i32>} : memref<112x128xf32, #tpu.memory_space<vmem>>, vector<1x16xf32>,
      %swap3A_471 = vector.shape_cast %swap3A_470 : vector<1x16xf32> to vector<16xf32>
      %swap3A_472 = vector.shape_cast %broadcast_in_dim3A_361 : vector<16xf32> to vector<1x16xf32>
      tpu.vector_store %arg6[%swap3A_468, %swap3A_469], %swap3A_472 {strides = array<i32>} : memref<112x128xf32, #tpu.memory_space<vmem>>, vector<1x16xf32>,
      %swap3A_473 = arith.index_cast %scan3A_453 : i32 to index
      %swap3A_474 = arith.constant 64 : index
      %swap3A_475 = tpu.vector_load %arg6[%swap3A_473, %swap3A_474] {strides = array<i32>} : memref<112x128xf32, #tpu.memory_space<vmem>>, vector<1x16xf32>,
      %swap3A_476 = vector.shape_cast %swap3A_475 : vector<1x16xf32> to vector<16xf32>
      %swap3A_477 = vector.shape_cast %broadcast_in_dim3A_361 : vector<16xf32> to vector<1x16xf32>
      tpu.vector_store %arg6[%swap3A_473, %swap3A_474], %swap3A_477 {strides = array<i32>} : memref<112x128xf32, #tpu.memory_space<vmem>>, vector<1x16xf32>,
      %swap3A_478 = arith.index_cast %scan3A_453 : i32 to index
      %swap3A_479 = arith.constant 80 : index
      %swap3A_480 = tpu.vector_load %arg6[%swap3A_478, %swap3A_479] {strides = array<i32>} : memref<112x128xf32, #tpu.memory_space<vmem>>, vector<1x16xf32>,
      %swap3A_481 = vector.shape_cast %swap3A_480 : vector<1x16xf32> to vector<16xf32>
      %swap3A_482 = vector.shape_cast %broadcast_in_dim3A_361 : vector<16xf32> to vector<1x16xf32>
      tpu.vector_store %arg6[%swap3A_478, %swap3A_479], %swap3A_482 {strides = array<i32>} : memref<112x128xf32, #tpu.memory_space<vmem>>, vector<1x16xf32>,
      %swap3A_483 = arith.index_cast %scan3A_453 : i32 to index
      %swap3A_484 = arith.constant 96 : index
      %swap3A_485 = tpu.vector_load %arg6[%swap3A_483, %swap3A_484] {strides = array<i32>} : memref<112x128xf32, #tpu.memory_space<vmem>>, vector<1x16xf32>,
      %swap3A_486 = vector.shape_cast %swap3A_485 : vector<1x16xf32> to vector<16xf32>
      %swap3A_487 = vector.shape_cast %broadcast_in_dim3A_361 : vector<16xf32> to vector<1x16xf32>
      tpu.vector_store %arg6[%swap3A_483, %swap3A_484], %swap3A_487 {strides = array<i32>} : memref<112x128xf32, #tpu.memory_space<vmem>>, vector<1x16xf32>,
      %swap3A_488 = arith.index_cast %scan3A_453 : i32 to index
      %swap3A_489 = arith.constant 112 : index
      %swap3A_490 = tpu.vector_load %arg6[%swap3A_488, %swap3A_489] {strides = array<i32>} : memref<112x128xf32, #tpu.memory_space<vmem>>, vector<1x16xf32>,
      %swap3A_491 = vector.shape_cast %swap3A_490 : vector<1x16xf32> to vector<16xf32>
      %swap3A_492 = vector.shape_cast %broadcast_in_dim3A_361 : vector<16xf32> to vector<1x16xf32>
      tpu.vector_store %arg6[%swap3A_488, %swap3A_489], %swap3A_492 {strides = array<i32>} : memref<112x128xf32, #tpu.memory_space<vmem>>, vector<1x16xf32>,
    }
    %scan3A_366 = arith.constant 112 : i32
    %dma_start3A_367 = arith.constant 0 : i32
    %dma_start3A_368 = arith.constant 0 : i32
    %dma_start3A_369 = arith.constant 0 : i32
    %dma_start3A_370 = tpu.memref_slice %arg5[%dma_start3A_367, %dma_start3A_368, %dma_start3A_369] : memref<10x14x112xi32, #tpu.memory_space<vmem>> -> memref<1x1x112xi32, #tpu.memory_space<vmem>>
    %dma_start3A_371 = tpu.memref_squeeze %dma_start3A_370 : memref<1x1x112xi32, #tpu.memory_space<vmem>> -> memref<112xi32, #tpu.memory_space<vmem>>
    %dma_start3A_372 = arith.constant 0 : i32
    %dma_start3A_373 = arith.constant 0 : i32
    %dma_start3A_374 = tpu.memref_slice %arg2[%dma_start3A_372, %dma_start3A_373] : memref<100000x128xf32, #tpu.memory_space<hbm>> -> memref<100000x128xf32, #tpu.memory_space<hbm>>
    tpu.enqueue_indirect_dma source(%dma_start3A_374 : memref<100000x128xf32, #tpu.memory_space<hbm>>) target(%arg6 : memref<112x128xf32, #tpu.memory_space<vmem>>) offsets(%dma_start3A_371 : memref<112xi32, #tpu.memory_space<vmem>>) semaphore(%arg9 : memref<!tpu.dma_semaphore, #tpu.memory_space<semaphore_mem>>) {add = true}
    %dma_start3A_375 = arith.constant 1 : i32
    %dma_start3A_376 = arith.constant 0 : i32
    %dma_start3A_377 = arith.constant 0 : i32
    %dma_start3A_378 = tpu.memref_slice %arg5[%dma_start3A_375, %dma_start3A_376, %dma_start3A_377] : memref<10x14x112xi32, #tpu.memory_space<vmem>> -> memref<1x1x112xi32, #tpu.memory_space<vmem>>
    %dma_start3A_379 = tpu.memref_squeeze %dma_start3A_378 : memref<1x1x112xi32, #tpu.memory_space<vmem>> -> memref<112xi32, #tpu.memory_space<vmem>>
    %dma_start3A_380 = arith.constant 0 : i32
    %dma_start3A_381 = arith.constant 0 : i32
    %dma_start3A_382 = tpu.memref_slice %arg2[%dma_start3A_380, %dma_start3A_381] : memref<100000x128xf32, #tpu.memory_space<hbm>> -> memref<100000x128xf32, #tpu.memory_space<hbm>>
    tpu.enqueue_indirect_dma source(%dma_start3A_382 : memref<100000x128xf32, #tpu.memory_space<hbm>>) target(%arg6 : memref<112x128xf32, #tpu.memory_space<vmem>>) offsets(%dma_start3A_379 : memref<112xi32, #tpu.memory_space<vmem>>) semaphore(%arg9 : memref<!tpu.dma_semaphore, #tpu.memory_space<semaphore_mem>>) {add = true}
    %dma_start3A_383 = arith.constant 2 : i32
    %dma_start3A_384 = arith.constant 0 : i32
    %dma_start3A_385 = arith.constant 0 : i32
    %dma_start3A_386 = tpu.memref_slice %arg5[%dma_start3A_383, %dma_start3A_384, %dma_start3A_385] : memref<10x14x112xi32, #tpu.memory_space<vmem>> -> memref<1x1x112xi32, #tpu.memory_space<vmem>>
    %dma_start3A_387 = tpu.memref_squeeze %dma_start3A_386 : memref<1x1x112xi32, #tpu.memory_space<vmem>> -> memref<112xi32, #tpu.memory_space<vmem>>
    %dma_start3A_388 = arith.constant 0 : i32
    %dma_start3A_389 = arith.constant 0 : i32
    %dma_start3A_390 = tpu.memref_slice %arg2[%dma_start3A_388, %dma_start3A_389] : memref<100000x128xf32, #tpu.memory_space<hbm>> -> memref<100000x128xf32, #tpu.memory_space<hbm>>
    tpu.enqueue_indirect_dma source(%dma_start3A_390 : memref<100000x128xf32, #tpu.memory_space<hbm>>) target(%arg6 : memref<112x128xf32, #tpu.memory_space<vmem>>) offsets(%dma_start3A_387 : memref<112xi32, #tpu.memory_space<vmem>>) semaphore(%arg9 : memref<!tpu.dma_semaphore, #tpu.memory_space<semaphore_mem>>) {add = true}
    %dma_start3A_391 = arith.constant 3 : i32
    %dma_start3A_392 = arith.constant 0 : i32
    %dma_start3A_393 = arith.constant 0 : i32
    %dma_start3A_394 = tpu.memref_slice %arg5[%dma_start3A_391, %dma_start3A_392, %dma_start3A_393] : memref<10x14x112xi32, #tpu.memory_space<vmem>> -> memref<1x1x112xi32, #tpu.memory_space<vmem>>
    %dma_start3A_395 = tpu.memref_squeeze %dma_start3A_394 : memref<1x1x112xi32, #tpu.memory_space<vmem>> -> memref<112xi32, #tpu.memory_space<vmem>>
    %dma_start3A_396 = arith.constant 0 : i32
    %dma_start3A_397 = arith.constant 0 : i32
    %dma_start3A_398 = tpu.memref_slice %arg2[%dma_start3A_396, %dma_start3A_397] : memref<100000x128xf32, #tpu.memory_space<hbm>> -> memref<100000x128xf32, #tpu.memory_space<hbm>>
    tpu.enqueue_indirect_dma source(%dma_start3A_398 : memref<100000x128xf32, #tpu.memory_space<hbm>>) target(%arg6 : memref<112x128xf32, #tpu.memory_space<vmem>>) offsets(%dma_start3A_395 : memref<112xi32, #tpu.memory_space<vmem>>) semaphore(%arg9 : memref<!tpu.dma_semaphore, #tpu.memory_space<semaphore_mem>>) {add = true}
    %dma_start3A_399 = arith.constant 4 : i32
    %dma_start3A_400 = arith.constant 0 : i32
    %dma_start3A_401 = arith.constant 0 : i32
    %dma_start3A_402 = tpu.memref_slice %arg5[%dma_start3A_399, %dma_start3A_400, %dma_start3A_401] : memref<10x14x112xi32, #tpu.memory_space<vmem>> -> memref<1x1x112xi32, #tpu.memory_space<vmem>>
    %dma_start3A_403 = tpu.memref_squeeze %dma_start3A_402 : memref<1x1x112xi32, #tpu.memory_space<vmem>> -> memref<112xi32, #tpu.memory_space<vmem>>
    %dma_start3A_404 = arith.constant 0 : i32
    %dma_start3A_405 = arith.constant 0 : i32
    %dma_start3A_406 = tpu.memref_slice %arg2[%dma_start3A_404, %dma_start3A_405] : memref<100000x128xf32, #tpu.memory_space<hbm>> -> memref<100000x128xf32, #tpu.memory_space<hbm>>
    tpu.enqueue_indirect_dma source(%dma_start3A_406 : memref<100000x128xf32, #tpu.memory_space<hbm>>) target(%arg6 : memref<112x128xf32, #tpu.memory_space<vmem>>) offsets(%dma_start3A_403 : memref<112xi32, #tpu.memory_space<vmem>>) semaphore(%arg9 : memref<!tpu.dma_semaphore, #tpu.memory_space<semaphore_mem>>) {add = true}
    %dma_start3A_407 = arith.constant 5 : i32
    %dma_start3A_408 = arith.constant 0 : i32
    %dma_start3A_409 = arith.constant 0 : i32
    %dma_start3A_410 = tpu.memref_slice %arg5[%dma_start3A_407, %dma_start3A_408, %dma_start3A_409] : memref<10x14x112xi32, #tpu.memory_space<vmem>> -> memref<1x1x112xi32, #tpu.memory_space<vmem>>
    %dma_start3A_411 = tpu.memref_squeeze %dma_start3A_410 : memref<1x1x112xi32, #tpu.memory_space<vmem>> -> memref<112xi32, #tpu.memory_space<vmem>>
    %dma_start3A_412 = arith.constant 0 : i32
    %dma_start3A_413 = arith.constant 0 : i32
    %dma_start3A_414 = tpu.memref_slice %arg2[%dma_start3A_412, %dma_start3A_413] : memref<100000x128xf32, #tpu.memory_space<hbm>> -> memref<100000x128xf32, #tpu.memory_space<hbm>>
    tpu.enqueue_indirect_dma source(%dma_start3A_414 : memref<100000x128xf32, #tpu.memory_space<hbm>>) target(%arg6 : memref<112x128xf32, #tpu.memory_space<vmem>>) offsets(%dma_start3A_411 : memref<112xi32, #tpu.memory_space<vmem>>) semaphore(%arg9 : memref<!tpu.dma_semaphore, #tpu.memory_space<semaphore_mem>>) {add = true}
    %dma_start3A_415 = arith.constant 6 : i32
    %dma_start3A_416 = arith.constant 0 : i32
    %dma_start3A_417 = arith.constant 0 : i32
    %dma_start3A_418 = tpu.memref_slice %arg5[%dma_start3A_415, %dma_start3A_416, %dma_start3A_417] : memref<10x14x112xi32, #tpu.memory_space<vmem>> -> memref<1x1x112xi32, #tpu.memory_space<vmem>>
    %dma_start3A_419 = tpu.memref_squeeze %dma_start3A_418 : memref<1x1x112xi32, #tpu.memory_space<vmem>> -> memref<112xi32, #tpu.memory_space<vmem>>
    %dma_start3A_420 = arith.constant 0 : i32
    %dma_start3A_421 = arith.constant 0 : i32
    %dma_start3A_422 = tpu.memref_slice %arg2[%dma_start3A_420, %dma_start3A_421] : memref<100000x128xf32, #tpu.memory_space<hbm>> -> memref<100000x128xf32, #tpu.memory_space<hbm>>
    tpu.enqueue_indirect_dma source(%dma_start3A_422 : memref<100000x128xf32, #tpu.memory_space<hbm>>) target(%arg6 : memref<112x128xf32, #tpu.memory_space<vmem>>) offsets(%dma_start3A_419 : memref<112xi32, #tpu.memory_space<vmem>>) semaphore(%arg9 : memref<!tpu.dma_semaphore, #tpu.memory_space<semaphore_mem>>) {add = true}
    %dma_start3A_423 = arith.constant 7 : i32
    %dma_start3A_424 = arith.constant 0 : i32
    %dma_start3A_425 = arith.constant 0 : i32
    %dma_start3A_426 = tpu.memref_slice %arg5[%dma_start3A_423, %dma_start3A_424, %dma_start3A_425] : memref<10x14x112xi32, #tpu.memory_space<vmem>> -> memref<1x1x112xi32, #tpu.memory_space<vmem>>
    %dma_start3A_427 = tpu.memref_squeeze %dma_start3A_426 : memref<1x1x112xi32, #tpu.memory_space<vmem>> -> memref<112xi32, #tpu.memory_space<vmem>>
    %dma_start3A_428 = arith.constant 0 : i32
    %dma_start3A_429 = arith.constant 0 : i32
    %dma_start3A_430 = tpu.memref_slice %arg2[%dma_start3A_428, %dma_start3A_429] : memref<100000x128xf32, #tpu.memory_space<hbm>> -> memref<100000x128xf32, #tpu.memory_space<hbm>>
    tpu.enqueue_indirect_dma source(%dma_start3A_430 : memref<100000x128xf32, #tpu.memory_space<hbm>>) target(%arg6 : memref<112x128xf32, #tpu.memory_space<vmem>>) offsets(%dma_start3A_427 : memref<112xi32, #tpu.memory_space<vmem>>) semaphore(%arg9 : memref<!tpu.dma_semaphore, #tpu.memory_space<semaphore_mem>>) {add = true}
    %dma_start3A_431 = arith.constant 8 : i32
    %dma_start3A_432 = arith.constant 0 : i32
    %dma_start3A_433 = arith.constant 0 : i32
    %dma_start3A_434 = tpu.memref_slice %arg5[%dma_start3A_431, %dma_start3A_432, %dma_start3A_433] : memref<10x14x112xi32, #tpu.memory_space<vmem>> -> memref<1x1x112xi32, #tpu.memory_space<vmem>>
    %dma_start3A_435 = tpu.memref_squeeze %dma_start3A_434 : memref<1x1x112xi32, #tpu.memory_space<vmem>> -> memref<112xi32, #tpu.memory_space<vmem>>
    %dma_start3A_436 = arith.constant 0 : i32
    %dma_start3A_437 = arith.constant 0 : i32
    %dma_start3A_438 = tpu.memref_slice %arg2[%dma_start3A_436, %dma_start3A_437] : memref<100000x128xf32, #tpu.memory_space<hbm>> -> memref<100000x128xf32, #tpu.memory_space<hbm>>
    tpu.enqueue_indirect_dma source(%dma_start3A_438 : memref<100000x128xf32, #tpu.memory_space<hbm>>) target(%arg6 : memref<112x128xf32, #tpu.memory_space<vmem>>) offsets(%dma_start3A_435 : memref<112xi32, #tpu.memory_space<vmem>>) semaphore(%arg9 : memref<!tpu.dma_semaphore, #tpu.memory_space<semaphore_mem>>) {add = true}
    %dma_start3A_439 = arith.constant 9 : i32
    %dma_start3A_440 = arith.constant 0 : i32
    %dma_start3A_441 = arith.constant 0 : i32
    %dma_start3A_442 = tpu.memref_slice %arg5[%dma_start3A_439, %dma_start3A_440, %dma_start3A_441] : memref<10x14x112xi32, #tpu.memory_space<vmem>> -> memref<1x1x112xi32, #tpu.memory_space<vmem>>
    %dma_start3A_443 = tpu.memref_squeeze %dma_start3A_442 : memref<1x1x112xi32, #tpu.memory_space<vmem>> -> memref<112xi32, #tpu.memory_space<vmem>>
    %dma_start3A_444 = arith.constant 0 : i32
    %dma_start3A_445 = arith.constant 0 : i32
    %dma_start3A_446 = tpu.memref_slice %arg2[%dma_start3A_444, %dma_start3A_445] : memref<100000x128xf32, #tpu.memory_space<hbm>> -> memref<100000x128xf32, #tpu.memory_space<hbm>>
    tpu.enqueue_indirect_dma source(%dma_start3A_446 : memref<100000x128xf32, #tpu.memory_space<hbm>>) target(%arg6 : memref<112x128xf32, #tpu.memory_space<vmem>>) offsets(%dma_start3A_443 : memref<112xi32, #tpu.memory_space<vmem>>) semaphore(%arg9 : memref<!tpu.dma_semaphore, #tpu.memory_space<semaphore_mem>>) {add = true}
    %scan3A_447 = arith.constant 0 : i32
    %scan3A_448 = arith.constant 0 : i32
    %scan3A_449 = arith.constant 7 : i32
    %scan3A_450 = arith.addi %scan3A_448, %scan3A_449 : i32
    %scan3A_451 = arith.constant 1 : i32
    scf.for %scan3A_453 = %scan3A_448 to %scan3A_450 step %scan3A_451  : i32 {
      %mul3A_454 = arith.constant 2 : i32
      %mul3A_455 = arith.muli %mul3A_454, %scan3A_453 : i32
      %add3A_456 = arith.constant 0 : i32
      %add3A_457 = arith.addi %mul3A_455, %add3A_456 : i32
      %add3A_458 = arith.constant 1 : i32
      %add3A_459 = arith.addi %add3A_457, %add3A_458 : i32
      %lt3A = arith.constant 14 : i32
      %lt3A_460 = arith.cmpi slt, %add3A_459, %lt3A : i32
      %convert_element_type3A = arith.extui %lt3A_460 : i1 to i32
      %cond3A = arith.constant 0 : i32
      %cond3A_461 = arith.cmpi ne, %convert_element_type3A, %cond3A : i32
      scf.if %cond3A_461 {
        %scan3A_619 = arith.constant 0 : i32
        %scan3A_620 = arith.constant 0 : i32
        %scan3A_621 = arith.constant 112 : i32
        %scan3A_622 = arith.addi %scan3A_620, %scan3A_621 : i32
        %scan3A_623 = arith.constant 1 : i32
        scf.for %scan3A_697 = %scan3A_620 to %scan3A_622 step %scan3A_623  : i32 {
          %swap3A = arith.index_cast %scan3A_697 : i32 to index
          %swap3A_698 = arith.constant 0 : index
          %swap3A_699 = tpu.vector_load %arg7[%swap3A, %swap3A_698] {strides = array<i32>} : memref<112x128xf32, #tpu.memory_space<vmem>>, vector<1x16xf32>,
          %swap3A_700 = vector.shape_cast %swap3A_699 : vector<1x16xf32> to vector<16xf32>
          %swap3A_701 = vector.shape_cast %broadcast_in_dim3A_361 : vector<16xf32> to vector<1x16xf32>
          tpu.vector_store %arg7[%swap3A, %swap3A_698], %swap3A_701 {strides = array<i32>} : memref<112x128xf32, #tpu.memory_space<vmem>>, vector<1x16xf32>,
          %swap3A_702 = arith.index_cast %scan3A_697 : i32 to index
          %swap3A_703 = arith.constant 16 : index
          %swap3A_704 = tpu.vector_load %arg7[%swap3A_702, %swap3A_703] {strides = array<i32>} : memref<112x128xf32, #tpu.memory_space<vmem>>, vector<1x16xf32>,
          %swap3A_705 = vector.shape_cast %swap3A_704 : vector<1x16xf32> to vector<16xf32>
          %swap3A_706 = vector.shape_cast %broadcast_in_dim3A_361 : vector<16xf32> to vector<1x16xf32>
          tpu.vector_store %arg7[%swap3A_702, %swap3A_703], %swap3A_706 {strides = array<i32>} : memref<112x128xf32, #tpu.memory_space<vmem>>, vector<1x16xf32>,
          %swap3A_707 = arith.index_cast %scan3A_697 : i32 to index
          %swap3A_708 = arith.constant 32 : index
          %swap3A_709 = tpu.vector_load %arg7[%swap3A_707, %swap3A_708] {strides = array<i32>} : memref<112x128xf32, #tpu.memory_space<vmem>>, vector<1x16xf32>,
          %swap3A_710 = vector.shape_cast %swap3A_709 : vector<1x16xf32> to vector<16xf32>
          %swap3A_711 = vector.shape_cast %broadcast_in_dim3A_361 : vector<16xf32> to vector<1x16xf32>
          tpu.vector_store %arg7[%swap3A_707, %swap3A_708], %swap3A_711 {strides = array<i32>} : memref<112x128xf32, #tpu.memory_space<vmem>>, vector<1x16xf32>,
          %swap3A_712 = arith.index_cast %scan3A_697 : i32 to index
          %swap3A_713 = arith.constant 48 : index
          %swap3A_714 = tpu.vector_load %arg7[%swap3A_712, %swap3A_713] {strides = array<i32>} : memref<112x128xf32, #tpu.memory_space<vmem>>, vector<1x16xf32>,
          %swap3A_715 = vector.shape_cast %swap3A_714 : vector<1x16xf32> to vector<16xf32>
          %swap3A_716 = vector.shape_cast %broadcast_in_dim3A_361 : vector<16xf32> to vector<1x16xf32>
          tpu.vector_store %arg7[%swap3A_712, %swap3A_713], %swap3A_716 {strides = array<i32>} : memref<112x128xf32, #tpu.memory_space<vmem>>, vector<1x16xf32>,
          %swap3A_717 = arith.index_cast %scan3A_697 : i32 to index
          %swap3A_718 = arith.constant 64 : index
          %swap3A_719 = tpu.vector_load %arg7[%swap3A_717, %swap3A_718] {strides = array<i32>} : memref<112x128xf32, #tpu.memory_space<vmem>>, vector<1x16xf32>,
          %swap3A_720 = vector.shape_cast %swap3A_719 : vector<1x16xf32> to vector<16xf32>
          %swap3A_721 = vector.shape_cast %broadcast_in_dim3A_361 : vector<16xf32> to vector<1x16xf32>
          tpu.vector_store %arg7[%swap3A_717, %swap3A_718], %swap3A_721 {strides = array<i32>} : memref<112x128xf32, #tpu.memory_space<vmem>>, vector<1x16xf32>,
          %swap3A_722 = arith.index_cast %scan3A_697 : i32 to index
          %swap3A_723 = arith.constant 80 : index
          %swap3A_724 = tpu.vector_load %arg7[%swap3A_722, %swap3A_723] {strides = array<i32>} : memref<112x128xf32, #tpu.memory_space<vmem>>, vector<1x16xf32>,
          %swap3A_725 = vector.shape_cast %swap3A_724 : vector<1x16xf32> to vector<16xf32>
          %swap3A_726 = vector.shape_cast %broadcast_in_dim3A_361 : vector<16xf32> to vector<1x16xf32>
          tpu.vector_store %arg7[%swap3A_722, %swap3A_723], %swap3A_726 {strides = array<i32>} : memref<112x128xf32, #tpu.memory_space<vmem>>, vector<1x16xf32>,
          %swap3A_727 = arith.index_cast %scan3A_697 : i32 to index
          %swap3A_728 = arith.constant 96 : index
          %swap3A_729 = tpu.vector_load %arg7[%swap3A_727, %swap3A_728] {strides = array<i32>} : memref<112x128xf32, #tpu.memory_space<vmem>>, vector<1x16xf32>,
          %swap3A_730 = vector.shape_cast %swap3A_729 : vector<1x16xf32> to vector<16xf32>
          %swap3A_731 = vector.shape_cast %broadcast_in_dim3A_361 : vector<16xf32> to vector<1x16xf32>
          tpu.vector_store %arg7[%swap3A_727, %swap3A_728], %swap3A_731 {strides = array<i32>} : memref<112x128xf32, #tpu.memory_space<vmem>>, vector<1x16xf32>,
          %swap3A_732 = arith.index_cast %scan3A_697 : i32 to index
          %swap3A_733 = arith.constant 112 : index
          %swap3A_734 = tpu.vector_load %arg7[%swap3A_732, %swap3A_733] {strides = array<i32>} : memref<112x128xf32, #tpu.memory_space<vmem>>, vector<1x16xf32>,
          %swap3A_735 = vector.shape_cast %swap3A_734 : vector<1x16xf32> to vector<16xf32>
          %swap3A_736 = vector.shape_cast %broadcast_in_dim3A_361 : vector<16xf32> to vector<1x16xf32>
          tpu.vector_store %arg7[%swap3A_732, %swap3A_733], %swap3A_736 {strides = array<i32>} : memref<112x128xf32, #tpu.memory_space<vmem>>, vector<1x16xf32>,
        }
        %scan3A_624 = arith.constant 112 : i32
        %add3A_625 = arith.constant 1 : i32
        %add3A_626 = arith.addi %add3A_457, %add3A_625 : i32
        %dma_start3A_627 = arith.constant 0 : i32
        %dma_start3A_628 = arith.constant 0 : i32
        %dma_start3A_629 = tpu.memref_slice %arg5[%dma_start3A_627, %add3A_626, %dma_start3A_628] : memref<10x14x112xi32, #tpu.memory_space<vmem>> -> memref<1x1x112xi32, #tpu.memory_space<vmem>>
        %dma_start3A_630 = tpu.memref_squeeze %dma_start3A_629 : memref<1x1x112xi32, #tpu.memory_space<vmem>> -> memref<112xi32, #tpu.memory_space<vmem>>
        %dma_start3A_631 = arith.constant 0 : i32
        %dma_start3A_632 = arith.constant 0 : i32
        %dma_start3A_633 = tpu.memref_slice %arg2[%dma_start3A_631, %dma_start3A_632] : memref<100000x128xf32, #tpu.memory_space<hbm>> -> memref<100000x128xf32, #tpu.memory_space<hbm>>
        tpu.enqueue_indirect_dma source(%dma_start3A_633 : memref<100000x128xf32, #tpu.memory_space<hbm>>) target(%arg7 : memref<112x128xf32, #tpu.memory_space<vmem>>) offsets(%dma_start3A_630 : memref<112xi32, #tpu.memory_space<vmem>>) semaphore(%arg10 : memref<!tpu.dma_semaphore, #tpu.memory_space<semaphore_mem>>) {add = true}
        %dma_start3A_634 = arith.constant 1 : i32
        %dma_start3A_635 = arith.constant 0 : i32
        %dma_start3A_636 = tpu.memref_slice %arg5[%dma_start3A_634, %add3A_626, %dma_start3A_635] : memref<10x14x112xi32, #tpu.memory_space<vmem>> -> memref<1x1x112xi32, #tpu.memory_space<vmem>>
        %dma_start3A_637 = tpu.memref_squeeze %dma_start3A_636 : memref<1x1x112xi32, #tpu.memory_space<vmem>> -> memref<112xi32, #tpu.memory_space<vmem>>
        %dma_start3A_638 = arith.constant 0 : i32
        %dma_start3A_639 = arith.constant 0 : i32
        %dma_start3A_640 = tpu.memref_slice %arg2[%dma_start3A_638, %dma_start3A_639] : memref<100000x128xf32, #tpu.memory_space<hbm>> -> memref<100000x128xf32, #tpu.memory_space<hbm>>
        tpu.enqueue_indirect_dma source(%dma_start3A_640 : memref<100000x128xf32, #tpu.memory_space<hbm>>) target(%arg7 : memref<112x128xf32, #tpu.memory_space<vmem>>) offsets(%dma_start3A_637 : memref<112xi32, #tpu.memory_space<vmem>>) semaphore(%arg10 : memref<!tpu.dma_semaphore, #tpu.memory_space<semaphore_mem>>) {add = true}
        %dma_start3A_641 = arith.constant 2 : i32
        %dma_start3A_642 = arith.constant 0 : i32
        %dma_start3A_643 = tpu.memref_slice %arg5[%dma_start3A_641, %add3A_626, %dma_start3A_642] : memref<10x14x112xi32, #tpu.memory_space<vmem>> -> memref<1x1x112xi32, #tpu.memory_space<vmem>>
        %dma_start3A_644 = tpu.memref_squeeze %dma_start3A_643 : memref<1x1x112xi32, #tpu.memory_space<vmem>> -> memref<112xi32, #tpu.memory_space<vmem>>
        %dma_start3A_645 = arith.constant 0 : i32
        %dma_start3A_646 = arith.constant 0 : i32
        %dma_start3A_647 = tpu.memref_slice %arg2[%dma_start3A_645, %dma_start3A_646] : memref<100000x128xf32, #tpu.memory_space<hbm>> -> memref<100000x128xf32, #tpu.memory_space<hbm>>
        tpu.enqueue_indirect_dma source(%dma_start3A_647 : memref<100000x128xf32, #tpu.memory_space<hbm>>) target(%arg7 : memref<112x128xf32, #tpu.memory_space<vmem>>) offsets(%dma_start3A_644 : memref<112xi32, #tpu.memory_space<vmem>>) semaphore(%arg10 : memref<!tpu.dma_semaphore, #tpu.memory_space<semaphore_mem>>) {add = true}
        %dma_start3A_648 = arith.constant 3 : i32
        %dma_start3A_649 = arith.constant 0 : i32
        %dma_start3A_650 = tpu.memref_slice %arg5[%dma_start3A_648, %add3A_626, %dma_start3A_649] : memref<10x14x112xi32, #tpu.memory_space<vmem>> -> memref<1x1x112xi32, #tpu.memory_space<vmem>>
        %dma_start3A_651 = tpu.memref_squeeze %dma_start3A_650 : memref<1x1x112xi32, #tpu.memory_space<vmem>> -> memref<112xi32, #tpu.memory_space<vmem>>
        %dma_start3A_652 = arith.constant 0 : i32
        %dma_start3A_653 = arith.constant 0 : i32
        %dma_start3A_654 = tpu.memref_slice %arg2[%dma_start3A_652, %dma_start3A_653] : memref<100000x128xf32, #tpu.memory_space<hbm>> -> memref<100000x128xf32, #tpu.memory_space<hbm>>
        tpu.enqueue_indirect_dma source(%dma_start3A_654 : memref<100000x128xf32, #tpu.memory_space<hbm>>) target(%arg7 : memref<112x128xf32, #tpu.memory_space<vmem>>) offsets(%dma_start3A_651 : memref<112xi32, #tpu.memory_space<vmem>>) semaphore(%arg10 : memref<!tpu.dma_semaphore, #tpu.memory_space<semaphore_mem>>) {add = true}
        %dma_start3A_655 = arith.constant 4 : i32
        %dma_start3A_656 = arith.constant 0 : i32
        %dma_start3A_657 = tpu.memref_slice %arg5[%dma_start3A_655, %add3A_626, %dma_start3A_656] : memref<10x14x112xi32, #tpu.memory_space<vmem>> -> memref<1x1x112xi32, #tpu.memory_space<vmem>>
        %dma_start3A_658 = tpu.memref_squeeze %dma_start3A_657 : memref<1x1x112xi32, #tpu.memory_space<vmem>> -> memref<112xi32, #tpu.memory_space<vmem>>
        %dma_start3A_659 = arith.constant 0 : i32
        %dma_start3A_660 = arith.constant 0 : i32
        %dma_start3A_661 = tpu.memref_slice %arg2[%dma_start3A_659, %dma_start3A_660] : memref<100000x128xf32, #tpu.memory_space<hbm>> -> memref<100000x128xf32, #tpu.memory_space<hbm>>
        tpu.enqueue_indirect_dma source(%dma_start3A_661 : memref<100000x128xf32, #tpu.memory_space<hbm>>) target(%arg7 : memref<112x128xf32, #tpu.memory_space<vmem>>) offsets(%dma_start3A_658 : memref<112xi32, #tpu.memory_space<vmem>>) semaphore(%arg10 : memref<!tpu.dma_semaphore, #tpu.memory_space<semaphore_mem>>) {add = true}
        %dma_start3A_662 = arith.constant 5 : i32
        %dma_start3A_663 = arith.constant 0 : i32
        %dma_start3A_664 = tpu.memref_slice %arg5[%dma_start3A_662, %add3A_626, %dma_start3A_663] : memref<10x14x112xi32, #tpu.memory_space<vmem>> -> memref<1x1x112xi32, #tpu.memory_space<vmem>>
        %dma_start3A_665 = tpu.memref_squeeze %dma_start3A_664 : memref<1x1x112xi32, #tpu.memory_space<vmem>> -> memref<112xi32, #tpu.memory_space<vmem>>
        %dma_start3A_666 = arith.constant 0 : i32
        %dma_start3A_667 = arith.constant 0 : i32
        %dma_start3A_668 = tpu.memref_slice %arg2[%dma_start3A_666, %dma_start3A_667] : memref<100000x128xf32, #tpu.memory_space<hbm>> -> memref<100000x128xf32, #tpu.memory_space<hbm>>
        tpu.enqueue_indirect_dma source(%dma_start3A_668 : memref<100000x128xf32, #tpu.memory_space<hbm>>) target(%arg7 : memref<112x128xf32, #tpu.memory_space<vmem>>) offsets(%dma_start3A_665 : memref<112xi32, #tpu.memory_space<vmem>>) semaphore(%arg10 : memref<!tpu.dma_semaphore, #tpu.memory_space<semaphore_mem>>) {add = true}
        %dma_start3A_669 = arith.constant 6 : i32
        %dma_start3A_670 = arith.constant 0 : i32
        %dma_start3A_671 = tpu.memref_slice %arg5[%dma_start3A_669, %add3A_626, %dma_start3A_670] : memref<10x14x112xi32, #tpu.memory_space<vmem>> -> memref<1x1x112xi32, #tpu.memory_space<vmem>>
        %dma_start3A_672 = tpu.memref_squeeze %dma_start3A_671 : memref<1x1x112xi32, #tpu.memory_space<vmem>> -> memref<112xi32, #tpu.memory_space<vmem>>
        %dma_start3A_673 = arith.constant 0 : i32
        %dma_start3A_674 = arith.constant 0 : i32
        %dma_start3A_675 = tpu.memref_slice %arg2[%dma_start3A_673, %dma_start3A_674] : memref<100000x128xf32, #tpu.memory_space<hbm>> -> memref<100000x128xf32, #tpu.memory_space<hbm>>
        tpu.enqueue_indirect_dma source(%dma_start3A_675 : memref<100000x128xf32, #tpu.memory_space<hbm>>) target(%arg7 : memref<112x128xf32, #tpu.memory_space<vmem>>) offsets(%dma_start3A_672 : memref<112xi32, #tpu.memory_space<vmem>>) semaphore(%arg10 : memref<!tpu.dma_semaphore, #tpu.memory_space<semaphore_mem>>) {add = true}
        %dma_start3A_676 = arith.constant 7 : i32
        %dma_start3A_677 = arith.constant 0 : i32
        %dma_start3A_678 = tpu.memref_slice %arg5[%dma_start3A_676, %add3A_626, %dma_start3A_677] : memref<10x14x112xi32, #tpu.memory_space<vmem>> -> memref<1x1x112xi32, #tpu.memory_space<vmem>>
        %dma_start3A_679 = tpu.memref_squeeze %dma_start3A_678 : memref<1x1x112xi32, #tpu.memory_space<vmem>> -> memref<112xi32, #tpu.memory_space<vmem>>
        %dma_start3A_680 = arith.constant 0 : i32
        %dma_start3A_681 = arith.constant 0 : i32
        %dma_start3A_682 = tpu.memref_slice %arg2[%dma_start3A_680, %dma_start3A_681] : memref<100000x128xf32, #tpu.memory_space<hbm>> -> memref<100000x128xf32, #tpu.memory_space<hbm>>
        tpu.enqueue_indirect_dma source(%dma_start3A_682 : memref<100000x128xf32, #tpu.memory_space<hbm>>) target(%arg7 : memref<112x128xf32, #tpu.memory_space<vmem>>) offsets(%dma_start3A_679 : memref<112xi32, #tpu.memory_space<vmem>>) semaphore(%arg10 : memref<!tpu.dma_semaphore, #tpu.memory_space<semaphore_mem>>) {add = true}
        %dma_start3A_683 = arith.constant 8 : i32
        %dma_start3A_684 = arith.constant 0 : i32
        %dma_start3A_685 = tpu.memref_slice %arg5[%dma_start3A_683, %add3A_626, %dma_start3A_684] : memref<10x14x112xi32, #tpu.memory_space<vmem>> -> memref<1x1x112xi32, #tpu.memory_space<vmem>>
        %dma_start3A_686 = tpu.memref_squeeze %dma_start3A_685 : memref<1x1x112xi32, #tpu.memory_space<vmem>> -> memref<112xi32, #tpu.memory_space<vmem>>
        %dma_start3A_687 = arith.constant 0 : i32
        %dma_start3A_688 = arith.constant 0 : i32
        %dma_start3A_689 = tpu.memref_slice %arg2[%dma_start3A_687, %dma_start3A_688] : memref<100000x128xf32, #tpu.memory_space<hbm>> -> memref<100000x128xf32, #tpu.memory_space<hbm>>
        tpu.enqueue_indirect_dma source(%dma_start3A_689 : memref<100000x128xf32, #tpu.memory_space<hbm>>) target(%arg7 : memref<112x128xf32, #tpu.memory_space<vmem>>) offsets(%dma_start3A_686 : memref<112xi32, #tpu.memory_space<vmem>>) semaphore(%arg10 : memref<!tpu.dma_semaphore, #tpu.memory_space<semaphore_mem>>) {add = true}
        %dma_start3A_690 = arith.constant 9 : i32
        %dma_start3A_691 = arith.constant 0 : i32
        %dma_start3A_692 = tpu.memref_slice %arg5[%dma_start3A_690, %add3A_626, %dma_start3A_691] : memref<10x14x112xi32, #tpu.memory_space<vmem>> -> memref<1x1x112xi32, #tpu.memory_space<vmem>>
        %dma_start3A_693 = tpu.memref_squeeze %dma_start3A_692 : memref<1x1x112xi32, #tpu.memory_space<vmem>> -> memref<112xi32, #tpu.memory_space<vmem>>
        %dma_start3A_694 = arith.constant 0 : i32
        %dma_start3A_695 = arith.constant 0 : i32
        %dma_start3A_696 = tpu.memref_slice %arg2[%dma_start3A_694, %dma_start3A_695] : memref<100000x128xf32, #tpu.memory_space<hbm>> -> memref<100000x128xf32, #tpu.memory_space<hbm>>
        tpu.enqueue_indirect_dma source(%dma_start3A_696 : memref<100000x128xf32, #tpu.memory_space<hbm>>) target(%arg7 : memref<112x128xf32, #tpu.memory_space<vmem>>) offsets(%dma_start3A_693 : memref<112xi32, #tpu.memory_space<vmem>>) semaphore(%arg10 : memref<!tpu.dma_semaphore, #tpu.memory_space<semaphore_mem>>) {add = true}
      } else {
      }
      %dma_wait3A_462 = arith.constant 0 : i32
      %dma_wait3A_463 = arith.constant 0 : i32
      %dma_wait3A_464 = tpu.memref_slice %arg5[%dma_wait3A_462, %add3A_457, %dma_wait3A_463] : memref<10x14x112xi32, #tpu.memory_space<vmem>> -> memref<1x1x112xi32, #tpu.memory_space<vmem>>
      %dma_wait3A_465 = tpu.memref_squeeze %dma_wait3A_464 : memref<1x1x112xi32, #tpu.memory_space<vmem>> -> memref<112xi32, #tpu.memory_space<vmem>>
      %dma_wait3A_466 = arith.constant 0 : i32
      %dma_wait3A_467 = arith.constant 0 : i32
      %dma_wait3A_468 = tpu.memref_slice %arg2[%dma_wait3A_466, %dma_wait3A_467] : memref<100000x128xf32, #tpu.memory_space<hbm>> -> memref<100000x128xf32, #tpu.memory_space<hbm>>
      tpu.wait_indirect_dma semaphore(%arg9 : memref<!tpu.dma_semaphore, #tpu.memory_space<semaphore_mem>>) src(%dma_wait3A_468 : memref<100000x128xf32, #tpu.memory_space<hbm>>) dst(%arg6 : memref<112x128xf32, #tpu.memory_space<vmem>>)
      %dma_wait3A_469 = arith.constant 1 : i32
      %dma_wait3A_470 = arith.constant 0 : i32
      %dma_wait3A_471 = tpu.memref_slice %arg5[%dma_wait3A_469, %add3A_457, %dma_wait3A_470] : memref<10x14x112xi32, #tpu.memory_space<vmem>> -> memref<1x1x112xi32, #tpu.memory_space<vmem>>
      %dma_wait3A_472 = tpu.memref_squeeze %dma_wait3A_471 : memref<1x1x112xi32, #tpu.memory_space<vmem>> -> memref<112xi32, #tpu.memory_space<vmem>>
      %dma_wait3A_473 = arith.constant 0 : i32
      %dma_wait3A_474 = arith.constant 0 : i32
      %dma_wait3A_475 = tpu.memref_slice %arg2[%dma_wait3A_473, %dma_wait3A_474] : memref<100000x128xf32, #tpu.memory_space<hbm>> -> memref<100000x128xf32, #tpu.memory_space<hbm>>
      tpu.wait_indirect_dma semaphore(%arg9 : memref<!tpu.dma_semaphore, #tpu.memory_space<semaphore_mem>>) src(%dma_wait3A_475 : memref<100000x128xf32, #tpu.memory_space<hbm>>) dst(%arg6 : memref<112x128xf32, #tpu.memory_space<vmem>>)
      %dma_wait3A_476 = arith.constant 2 : i32
      %dma_wait3A_477 = arith.constant 0 : i32
      %dma_wait3A_478 = tpu.memref_slice %arg5[%dma_wait3A_476, %add3A_457, %dma_wait3A_477] : memref<10x14x112xi32, #tpu.memory_space<vmem>> -> memref<1x1x112xi32, #tpu.memory_space<vmem>>
      %dma_wait3A_479 = tpu.memref_squeeze %dma_wait3A_478 : memref<1x1x112xi32, #tpu.memory_space<vmem>> -> memref<112xi32, #tpu.memory_space<vmem>>
      %dma_wait3A_480 = arith.constant 0 : i32
      %dma_wait3A_481 = arith.constant 0 : i32
      %dma_wait3A_482 = tpu.memref_slice %arg2[%dma_wait3A_480, %dma_wait3A_481] : memref<100000x128xf32, #tpu.memory_space<hbm>> -> memref<100000x128xf32, #tpu.memory_space<hbm>>
      tpu.wait_indirect_dma semaphore(%arg9 : memref<!tpu.dma_semaphore, #tpu.memory_space<semaphore_mem>>) src(%dma_wait3A_482 : memref<100000x128xf32, #tpu.memory_space<hbm>>) dst(%arg6 : memref<112x128xf32, #tpu.memory_space<vmem>>)
      %dma_wait3A_483 = arith.constant 3 : i32
      %dma_wait3A_484 = arith.constant 0 : i32
      %dma_wait3A_485 = tpu.memref_slice %arg5[%dma_wait3A_483, %add3A_457, %dma_wait3A_484] : memref<10x14x112xi32, #tpu.memory_space<vmem>> -> memref<1x1x112xi32, #tpu.memory_space<vmem>>
      %dma_wait3A_486 = tpu.memref_squeeze %dma_wait3A_485 : memref<1x1x112xi32, #tpu.memory_space<vmem>> -> memref<112xi32, #tpu.memory_space<vmem>>
      %dma_wait3A_487 = arith.constant 0 : i32
      %dma_wait3A_488 = arith.constant 0 : i32
      %dma_wait3A_489 = tpu.memref_slice %arg2[%dma_wait3A_487, %dma_wait3A_488] : memref<100000x128xf32, #tpu.memory_space<hbm>> -> memref<100000x128xf32, #tpu.memory_space<hbm>>
      tpu.wait_indirect_dma semaphore(%arg9 : memref<!tpu.dma_semaphore, #tpu.memory_space<semaphore_mem>>) src(%dma_wait3A_489 : memref<100000x128xf32, #tpu.memory_space<hbm>>) dst(%arg6 : memref<112x128xf32, #tpu.memory_space<vmem>>)
      %dma_wait3A_490 = arith.constant 4 : i32
      %dma_wait3A_491 = arith.constant 0 : i32
      %dma_wait3A_492 = tpu.memref_slice %arg5[%dma_wait3A_490, %add3A_457, %dma_wait3A_491] : memref<10x14x112xi32, #tpu.memory_space<vmem>> -> memref<1x1x112xi32, #tpu.memory_space<vmem>>
      %dma_wait3A_493 = tpu.memref_squeeze %dma_wait3A_492 : memref<1x1x112xi32, #tpu.memory_space<vmem>> -> memref<112xi32, #tpu.memory_space<vmem>>
      %dma_wait3A_494 = arith.constant 0 : i32
      %dma_wait3A_495 = arith.constant 0 : i32
      %dma_wait3A_496 = tpu.memref_slice %arg2[%dma_wait3A_494, %dma_wait3A_495] : memref<100000x128xf32, #tpu.memory_space<hbm>> -> memref<100000x128xf32, #tpu.memory_space<hbm>>
      tpu.wait_indirect_dma semaphore(%arg9 : memref<!tpu.dma_semaphore, #tpu.memory_space<semaphore_mem>>) src(%dma_wait3A_496 : memref<100000x128xf32, #tpu.memory_space<hbm>>) dst(%arg6 : memref<112x128xf32, #tpu.memory_space<vmem>>)
      %dma_wait3A_497 = arith.constant 5 : i32
      %dma_wait3A_498 = arith.constant 0 : i32
      %dma_wait3A_499 = tpu.memref_slice %arg5[%dma_wait3A_497, %add3A_457, %dma_wait3A_498] : memref<10x14x112xi32, #tpu.memory_space<vmem>> -> memref<1x1x112xi32, #tpu.memory_space<vmem>>
      %dma_wait3A_500 = tpu.memref_squeeze %dma_wait3A_499 : memref<1x1x112xi32, #tpu.memory_space<vmem>> -> memref<112xi32, #tpu.memory_space<vmem>>
      %dma_wait3A_501 = arith.constant 0 : i32
      %dma_wait3A_502 = arith.constant 0 : i32
      %dma_wait3A_503 = tpu.memref_slice %arg2[%dma_wait3A_501, %dma_wait3A_502] : memref<100000x128xf32, #tpu.memory_space<hbm>> -> memref<100000x128xf32, #tpu.memory_space<hbm>>
      tpu.wait_indirect_dma semaphore(%arg9 : memref<!tpu.dma_semaphore, #tpu.memory_space<semaphore_mem>>) src(%dma_wait3A_503 : memref<100000x128xf32, #tpu.memory_space<hbm>>) dst(%arg6 : memref<112x128xf32, #tpu.memory_space<vmem>>)
      %dma_wait3A_504 = arith.constant 6 : i32
      %dma_wait3A_505 = arith.constant 0 : i32
      %dma_wait3A_506 = tpu.memref_slice %arg5[%dma_wait3A_504, %add3A_457, %dma_wait3A_505] : memref<10x14x112xi32, #tpu.memory_space<vmem>> -> memref<1x1x112xi32, #tpu.memory_space<vmem>>
      %dma_wait3A_507 = tpu.memref_squeeze %dma_wait3A_506 : memref<1x1x112xi32, #tpu.memory_space<vmem>> -> memref<112xi32, #tpu.memory_space<vmem>>
      %dma_wait3A_508 = arith.constant 0 : i32
      %dma_wait3A_509 = arith.constant 0 : i32
      %dma_wait3A_510 = tpu.memref_slice %arg2[%dma_wait3A_508, %dma_wait3A_509] : memref<100000x128xf32, #tpu.memory_space<hbm>> -> memref<100000x128xf32, #tpu.memory_space<hbm>>
      tpu.wait_indirect_dma semaphore(%arg9 : memref<!tpu.dma_semaphore, #tpu.memory_space<semaphore_mem>>) src(%dma_wait3A_510 : memref<100000x128xf32, #tpu.memory_space<hbm>>) dst(%arg6 : memref<112x128xf32, #tpu.memory_space<vmem>>)
      %dma_wait3A_511 = arith.constant 7 : i32
      %dma_wait3A_512 = arith.constant 0 : i32
      %dma_wait3A_513 = tpu.memref_slice %arg5[%dma_wait3A_511, %add3A_457, %dma_wait3A_512] : memref<10x14x112xi32, #tpu.memory_space<vmem>> -> memref<1x1x112xi32, #tpu.memory_space<vmem>>
      %dma_wait3A_514 = tpu.memref_squeeze %dma_wait3A_513 : memref<1x1x112xi32, #tpu.memory_space<vmem>> -> memref<112xi32, #tpu.memory_space<vmem>>
      %dma_wait3A_515 = arith.constant 0 : i32
      %dma_wait3A_516 = arith.constant 0 : i32
      %dma_wait3A_517 = tpu.memref_slice %arg2[%dma_wait3A_515, %dma_wait3A_516] : memref<100000x128xf32, #tpu.memory_space<hbm>> -> memref<100000x128xf32, #tpu.memory_space<hbm>>
      tpu.wait_indirect_dma semaphore(%arg9 : memref<!tpu.dma_semaphore, #tpu.memory_space<semaphore_mem>>) src(%dma_wait3A_517 : memref<100000x128xf32, #tpu.memory_space<hbm>>) dst(%arg6 : memref<112x128xf32, #tpu.memory_space<vmem>>)
      %dma_wait3A_518 = arith.constant 8 : i32
      %dma_wait3A_519 = arith.constant 0 : i32
      %dma_wait3A_520 = tpu.memref_slice %arg5[%dma_wait3A_518, %add3A_457, %dma_wait3A_519] : memref<10x14x112xi32, #tpu.memory_space<vmem>> -> memref<1x1x112xi32, #tpu.memory_space<vmem>>
      %dma_wait3A_521 = tpu.memref_squeeze %dma_wait3A_520 : memref<1x1x112xi32, #tpu.memory_space<vmem>> -> memref<112xi32, #tpu.memory_space<vmem>>
      %dma_wait3A_522 = arith.constant 0 : i32
      %dma_wait3A_523 = arith.constant 0 : i32
      %dma_wait3A_524 = tpu.memref_slice %arg2[%dma_wait3A_522, %dma_wait3A_523] : memref<100000x128xf32, #tpu.memory_space<hbm>> -> memref<100000x128xf32, #tpu.memory_space<hbm>>
      tpu.wait_indirect_dma semaphore(%arg9 : memref<!tpu.dma_semaphore, #tpu.memory_space<semaphore_mem>>) src(%dma_wait3A_524 : memref<100000x128xf32, #tpu.memory_space<hbm>>) dst(%arg6 : memref<112x128xf32, #tpu.memory_space<vmem>>)
      %dma_wait3A_525 = arith.constant 9 : i32
      %dma_wait3A_526 = arith.constant 0 : i32
      %dma_wait3A_527 = tpu.memref_slice %arg5[%dma_wait3A_525, %add3A_457, %dma_wait3A_526] : memref<10x14x112xi32, #tpu.memory_space<vmem>> -> memref<1x1x112xi32, #tpu.memory_space<vmem>>
      %dma_wait3A_528 = tpu.memref_squeeze %dma_wait3A_527 : memref<1x1x112xi32, #tpu.memory_space<vmem>> -> memref<112xi32, #tpu.memory_space<vmem>>
      %dma_wait3A_529 = arith.constant 0 : i32
      %dma_wait3A_530 = arith.constant 0 : i32
      %dma_wait3A_531 = tpu.memref_slice %arg2[%dma_wait3A_529, %dma_wait3A_530] : memref<100000x128xf32, #tpu.memory_space<hbm>> -> memref<100000x128xf32, #tpu.memory_space<hbm>>
      tpu.wait_indirect_dma semaphore(%arg9 : memref<!tpu.dma_semaphore, #tpu.memory_space<semaphore_mem>>) src(%dma_wait3A_531 : memref<100000x128xf32, #tpu.memory_space<hbm>>) dst(%arg6 : memref<112x128xf32, #tpu.memory_space<vmem>>)
      %mul3A_532 = arith.constant 112 : i32
      %mul3A_533 = arith.muli %add3A_457, %mul3A_532 : i32
      %add3A_534 = arith.addi %mul3A_2, %mul3A_533 : i32
      "tpu.region"() ({
        %run_scoped3A = tpu.sem_alloc : memref<!tpu.dma_semaphore, #tpu.memory_space<semaphore_mem>>
        %dma_start3A_619 = arith.constant 0 : i32
        %dma_start3A_620 = tpu.memref_slice %arg4[%add3A_534, %dma_start3A_619] : memref<50176x128xf32, #tpu.memory_space<hbm>> -> memref<112x128xf32, #tpu.memory_space<hbm>>
        %dma_start3A_621 = arith.constant 0 : i32
        %dma_start3A_622 = tpu.memref_slice %arg4[%add3A_534, %dma_start3A_621] : memref<50176x128xf32, #tpu.memory_space<hbm>> -> memref<112x128xf32, #tpu.memory_space<hbm>>
        tpu.enqueue_dma source(%arg6 : memref<112x128xf32, #tpu.memory_space<vmem>>) target(%dma_start3A_622 : memref<112x128xf32, #tpu.memory_space<hbm>>) target_semaphore(%run_scoped3A : memref<!tpu.dma_semaphore, #tpu.memory_space<semaphore_mem>>)
        %dma_wait3A_623 = arith.constant 0 : i32
        %dma_wait3A_624 = tpu.memref_slice %arg4[%add3A_534, %dma_wait3A_623] : memref<50176x128xf32, #tpu.memory_space<hbm>> -> memref<112x128xf32, #tpu.memory_space<hbm>>
        %dma_wait3A_625 = arith.constant 0 : i32
        %dma_wait3A_626 = tpu.memref_slice %arg4[%add3A_534, %dma_wait3A_625] : memref<50176x128xf32, #tpu.memory_space<hbm>> -> memref<112x128xf32, #tpu.memory_space<hbm>>
        tpu.wait_dma2 semaphore(%run_scoped3A : memref<!tpu.dma_semaphore, #tpu.memory_space<semaphore_mem>>) src(%arg6 : memref<112x128xf32, #tpu.memory_space<vmem>>) dst(%dma_wait3A_626 : memref<112x128xf32, #tpu.memory_space<hbm>>)
        tpu.yield
      }) : () -> ()
      %mul3A_535 = arith.constant 2 : i32
      %mul3A_536 = arith.muli %mul3A_535, %scan3A_453 : i32
      %add3A_537 = arith.constant 1 : i32
      %add3A_538 = arith.addi %mul3A_536, %add3A_537 : i32
      %add3A_539 = arith.constant 1 : i32
      %add3A_540 = arith.addi %add3A_538, %add3A_539 : i32
      %lt3A_541 = arith.constant 14 : i32
      %lt3A_542 = arith.cmpi slt, %add3A_540, %lt3A_541 : i32
      %convert_element_type3A_543 = arith.extui %lt3A_542 : i1 to i32
      %cond3A_544 = arith.constant 0 : i32
      %cond3A_545 = arith.cmpi ne, %convert_element_type3A_543, %cond3A_544 : i32
      scf.if %cond3A_545 {
        %scan3A_619 = arith.constant 0 : i32
        %scan3A_620 = arith.constant 0 : i32
        %scan3A_621 = arith.constant 112 : i32
        %scan3A_622 = arith.addi %scan3A_620, %scan3A_621 : i32
        %scan3A_623 = arith.constant 1 : i32
        scf.for %scan3A_697 = %scan3A_620 to %scan3A_622 step %scan3A_623  : i32 {
          %swap3A = arith.index_cast %scan3A_697 : i32 to index
          %swap3A_698 = arith.constant 0 : index
          %swap3A_699 = tpu.vector_load %arg6[%swap3A, %swap3A_698] {strides = array<i32>} : memref<112x128xf32, #tpu.memory_space<vmem>>, vector<1x16xf32>,
          %swap3A_700 = vector.shape_cast %swap3A_699 : vector<1x16xf32> to vector<16xf32>
          %swap3A_701 = vector.shape_cast %broadcast_in_dim3A_361 : vector<16xf32> to vector<1x16xf32>
          tpu.vector_store %arg6[%swap3A, %swap3A_698], %swap3A_701 {strides = array<i32>} : memref<112x128xf32, #tpu.memory_space<vmem>>, vector<1x16xf32>,
          %swap3A_702 = arith.index_cast %scan3A_697 : i32 to index
          %swap3A_703 = arith.constant 16 : index
          %swap3A_704 = tpu.vector_load %arg6[%swap3A_702, %swap3A_703] {strides = array<i32>} : memref<112x128xf32, #tpu.memory_space<vmem>>, vector<1x16xf32>,
          %swap3A_705 = vector.shape_cast %swap3A_704 : vector<1x16xf32> to vector<16xf32>
          %swap3A_706 = vector.shape_cast %broadcast_in_dim3A_361 : vector<16xf32> to vector<1x16xf32>
          tpu.vector_store %arg6[%swap3A_702, %swap3A_703], %swap3A_706 {strides = array<i32>} : memref<112x128xf32, #tpu.memory_space<vmem>>, vector<1x16xf32>,
          %swap3A_707 = arith.index_cast %scan3A_697 : i32 to index
          %swap3A_708 = arith.constant 32 : index
          %swap3A_709 = tpu.vector_load %arg6[%swap3A_707, %swap3A_708] {strides = array<i32>} : memref<112x128xf32, #tpu.memory_space<vmem>>, vector<1x16xf32>,
          %swap3A_710 = vector.shape_cast %swap3A_709 : vector<1x16xf32> to vector<16xf32>
          %swap3A_711 = vector.shape_cast %broadcast_in_dim3A_361 : vector<16xf32> to vector<1x16xf32>
          tpu.vector_store %arg6[%swap3A_707, %swap3A_708], %swap3A_711 {strides = array<i32>} : memref<112x128xf32, #tpu.memory_space<vmem>>, vector<1x16xf32>,
          %swap3A_712 = arith.index_cast %scan3A_697 : i32 to index
          %swap3A_713 = arith.constant 48 : index
          %swap3A_714 = tpu.vector_load %arg6[%swap3A_712, %swap3A_713] {strides = array<i32>} : memref<112x128xf32, #tpu.memory_space<vmem>>, vector<1x16xf32>,
          %swap3A_715 = vector.shape_cast %swap3A_714 : vector<1x16xf32> to vector<16xf32>
          %swap3A_716 = vector.shape_cast %broadcast_in_dim3A_361 : vector<16xf32> to vector<1x16xf32>
          tpu.vector_store %arg6[%swap3A_712, %swap3A_713], %swap3A_716 {strides = array<i32>} : memref<112x128xf32, #tpu.memory_space<vmem>>, vector<1x16xf32>,
          %swap3A_717 = arith.index_cast %scan3A_697 : i32 to index
          %swap3A_718 = arith.constant 64 : index
          %swap3A_719 = tpu.vector_load %arg6[%swap3A_717, %swap3A_718] {strides = array<i32>} : memref<112x128xf32, #tpu.memory_space<vmem>>, vector<1x16xf32>,
          %swap3A_720 = vector.shape_cast %swap3A_719 : vector<1x16xf32> to vector<16xf32>
          %swap3A_721 = vector.shape_cast %broadcast_in_dim3A_361 : vector<16xf32> to vector<1x16xf32>
          tpu.vector_store %arg6[%swap3A_717, %swap3A_718], %swap3A_721 {strides = array<i32>} : memref<112x128xf32, #tpu.memory_space<vmem>>, vector<1x16xf32>,
          %swap3A_722 = arith.index_cast %scan3A_697 : i32 to index
          %swap3A_723 = arith.constant 80 : index
          %swap3A_724 = tpu.vector_load %arg6[%swap3A_722, %swap3A_723] {strides = array<i32>} : memref<112x128xf32, #tpu.memory_space<vmem>>, vector<1x16xf32>,
          %swap3A_725 = vector.shape_cast %swap3A_724 : vector<1x16xf32> to vector<16xf32>
          %swap3A_726 = vector.shape_cast %broadcast_in_dim3A_361 : vector<16xf32> to vector<1x16xf32>
          tpu.vector_store %arg6[%swap3A_722, %swap3A_723], %swap3A_726 {strides = array<i32>} : memref<112x128xf32, #tpu.memory_space<vmem>>, vector<1x16xf32>,
          %swap3A_727 = arith.index_cast %scan3A_697 : i32 to index
          %swap3A_728 = arith.constant 96 : index
          %swap3A_729 = tpu.vector_load %arg6[%swap3A_727, %swap3A_728] {strides = array<i32>} : memref<112x128xf32, #tpu.memory_space<vmem>>, vector<1x16xf32>,
          %swap3A_730 = vector.shape_cast %swap3A_729 : vector<1x16xf32> to vector<16xf32>
          %swap3A_731 = vector.shape_cast %broadcast_in_dim3A_361 : vector<16xf32> to vector<1x16xf32>
          tpu.vector_store %arg6[%swap3A_727, %swap3A_728], %swap3A_731 {strides = array<i32>} : memref<112x128xf32, #tpu.memory_space<vmem>>, vector<1x16xf32>,
          %swap3A_732 = arith.index_cast %scan3A_697 : i32 to index
          %swap3A_733 = arith.constant 112 : index
          %swap3A_734 = tpu.vector_load %arg6[%swap3A_732, %swap3A_733] {strides = array<i32>} : memref<112x128xf32, #tpu.memory_space<vmem>>, vector<1x16xf32>,
          %swap3A_735 = vector.shape_cast %swap3A_734 : vector<1x16xf32> to vector<16xf32>
          %swap3A_736 = vector.shape_cast %broadcast_in_dim3A_361 : vector<16xf32> to vector<1x16xf32>
          tpu.vector_store %arg6[%swap3A_732, %swap3A_733], %swap3A_736 {strides = array<i32>} : memref<112x128xf32, #tpu.memory_space<vmem>>, vector<1x16xf32>,
        }
        %scan3A_624 = arith.constant 112 : i32
        %add3A_625 = arith.constant 1 : i32
        %add3A_626 = arith.addi %add3A_538, %add3A_625 : i32
        %dma_start3A_627 = arith.constant 0 : i32
        %dma_start3A_628 = arith.constant 0 : i32
        %dma_start3A_629 = tpu.memref_slice %arg5[%dma_start3A_627, %add3A_626, %dma_start3A_628] : memref<10x14x112xi32, #tpu.memory_space<vmem>> -> memref<1x1x112xi32, #tpu.memory_space<vmem>>
        %dma_start3A_630 = tpu.memref_squeeze %dma_start3A_629 : memref<1x1x112xi32, #tpu.memory_space<vmem>> -> memref<112xi32, #tpu.memory_space<vmem>>
        %dma_start3A_631 = arith.constant 0 : i32
        %dma_start3A_632 = arith.constant 0 : i32
        %dma_start3A_633 = tpu.memref_slice %arg2[%dma_start3A_631, %dma_start3A_632] : memref<100000x128xf32, #tpu.memory_space<hbm>> -> memref<100000x128xf32, #tpu.memory_space<hbm>>
        tpu.enqueue_indirect_dma source(%dma_start3A_633 : memref<100000x128xf32, #tpu.memory_space<hbm>>) target(%arg6 : memref<112x128xf32, #tpu.memory_space<vmem>>) offsets(%dma_start3A_630 : memref<112xi32, #tpu.memory_space<vmem>>) semaphore(%arg9 : memref<!tpu.dma_semaphore, #tpu.memory_space<semaphore_mem>>) {add = true}
        %dma_start3A_634 = arith.constant 1 : i32
        %dma_start3A_635 = arith.constant 0 : i32
        %dma_start3A_636 = tpu.memref_slice %arg5[%dma_start3A_634, %add3A_626, %dma_start3A_635] : memref<10x14x112xi32, #tpu.memory_space<vmem>> -> memref<1x1x112xi32, #tpu.memory_space<vmem>>
        %dma_start3A_637 = tpu.memref_squeeze %dma_start3A_636 : memref<1x1x112xi32, #tpu.memory_space<vmem>> -> memref<112xi32, #tpu.memory_space<vmem>>
        %dma_start3A_638 = arith.constant 0 : i32
        %dma_start3A_639 = arith.constant 0 : i32
        %dma_start3A_640 = tpu.memref_slice %arg2[%dma_start3A_638, %dma_start3A_639] : memref<100000x128xf32, #tpu.memory_space<hbm>> -> memref<100000x128xf32, #tpu.memory_space<hbm>>
        tpu.enqueue_indirect_dma source(%dma_start3A_640 : memref<100000x128xf32, #tpu.memory_space<hbm>>) target(%arg6 : memref<112x128xf32, #tpu.memory_space<vmem>>) offsets(%dma_start3A_637 : memref<112xi32, #tpu.memory_space<vmem>>) semaphore(%arg9 : memref<!tpu.dma_semaphore, #tpu.memory_space<semaphore_mem>>) {add = true}
        %dma_start3A_641 = arith.constant 2 : i32
        %dma_start3A_642 = arith.constant 0 : i32
        %dma_start3A_643 = tpu.memref_slice %arg5[%dma_start3A_641, %add3A_626, %dma_start3A_642] : memref<10x14x112xi32, #tpu.memory_space<vmem>> -> memref<1x1x112xi32, #tpu.memory_space<vmem>>
        %dma_start3A_644 = tpu.memref_squeeze %dma_start3A_643 : memref<1x1x112xi32, #tpu.memory_space<vmem>> -> memref<112xi32, #tpu.memory_space<vmem>>
        %dma_start3A_645 = arith.constant 0 : i32
        %dma_start3A_646 = arith.constant 0 : i32
        %dma_start3A_647 = tpu.memref_slice %arg2[%dma_start3A_645, %dma_start3A_646] : memref<100000x128xf32, #tpu.memory_space<hbm>> -> memref<100000x128xf32, #tpu.memory_space<hbm>>
        tpu.enqueue_indirect_dma source(%dma_start3A_647 : memref<100000x128xf32, #tpu.memory_space<hbm>>) target(%arg6 : memref<112x128xf32, #tpu.memory_space<vmem>>) offsets(%dma_start3A_644 : memref<112xi32, #tpu.memory_space<vmem>>) semaphore(%arg9 : memref<!tpu.dma_semaphore, #tpu.memory_space<semaphore_mem>>) {add = true}
        %dma_start3A_648 = arith.constant 3 : i32
        %dma_start3A_649 = arith.constant 0 : i32
        %dma_start3A_650 = tpu.memref_slice %arg5[%dma_start3A_648, %add3A_626, %dma_start3A_649] : memref<10x14x112xi32, #tpu.memory_space<vmem>> -> memref<1x1x112xi32, #tpu.memory_space<vmem>>
        %dma_start3A_651 = tpu.memref_squeeze %dma_start3A_650 : memref<1x1x112xi32, #tpu.memory_space<vmem>> -> memref<112xi32, #tpu.memory_space<vmem>>
        %dma_start3A_652 = arith.constant 0 : i32
        %dma_start3A_653 = arith.constant 0 : i32
        %dma_start3A_654 = tpu.memref_slice %arg2[%dma_start3A_652, %dma_start3A_653] : memref<100000x128xf32, #tpu.memory_space<hbm>> -> memref<100000x128xf32, #tpu.memory_space<hbm>>
        tpu.enqueue_indirect_dma source(%dma_start3A_654 : memref<100000x128xf32, #tpu.memory_space<hbm>>) target(%arg6 : memref<112x128xf32, #tpu.memory_space<vmem>>) offsets(%dma_start3A_651 : memref<112xi32, #tpu.memory_space<vmem>>) semaphore(%arg9 : memref<!tpu.dma_semaphore, #tpu.memory_space<semaphore_mem>>) {add = true}
        %dma_start3A_655 = arith.constant 4 : i32
        %dma_start3A_656 = arith.constant 0 : i32
        %dma_start3A_657 = tpu.memref_slice %arg5[%dma_start3A_655, %add3A_626, %dma_start3A_656] : memref<10x14x112xi32, #tpu.memory_space<vmem>> -> memref<1x1x112xi32, #tpu.memory_space<vmem>>
        %dma_start3A_658 = tpu.memref_squeeze %dma_start3A_657 : memref<1x1x112xi32, #tpu.memory_space<vmem>> -> memref<112xi32, #tpu.memory_space<vmem>>
        %dma_start3A_659 = arith.constant 0 : i32
        %dma_start3A_660 = arith.constant 0 : i32
        %dma_start3A_661 = tpu.memref_slice %arg2[%dma_start3A_659, %dma_start3A_660] : memref<100000x128xf32, #tpu.memory_space<hbm>> -> memref<100000x128xf32, #tpu.memory_space<hbm>>
        tpu.enqueue_indirect_dma source(%dma_start3A_661 : memref<100000x128xf32, #tpu.memory_space<hbm>>) target(%arg6 : memref<112x128xf32, #tpu.memory_space<vmem>>) offsets(%dma_start3A_658 : memref<112xi32, #tpu.memory_space<vmem>>) semaphore(%arg9 : memref<!tpu.dma_semaphore, #tpu.memory_space<semaphore_mem>>) {add = true}
        %dma_start3A_662 = arith.constant 5 : i32
        %dma_start3A_663 = arith.constant 0 : i32
        %dma_start3A_664 = tpu.memref_slice %arg5[%dma_start3A_662, %add3A_626, %dma_start3A_663] : memref<10x14x112xi32, #tpu.memory_space<vmem>> -> memref<1x1x112xi32, #tpu.memory_space<vmem>>
        %dma_start3A_665 = tpu.memref_squeeze %dma_start3A_664 : memref<1x1x112xi32, #tpu.memory_space<vmem>> -> memref<112xi32, #tpu.memory_space<vmem>>
        %dma_start3A_666 = arith.constant 0 : i32
        %dma_start3A_667 = arith.constant 0 : i32
        %dma_start3A_668 = tpu.memref_slice %arg2[%dma_start3A_666, %dma_start3A_667] : memref<100000x128xf32, #tpu.memory_space<hbm>> -> memref<100000x128xf32, #tpu.memory_space<hbm>>
        tpu.enqueue_indirect_dma source(%dma_start3A_668 : memref<100000x128xf32, #tpu.memory_space<hbm>>) target(%arg6 : memref<112x128xf32, #tpu.memory_space<vmem>>) offsets(%dma_start3A_665 : memref<112xi32, #tpu.memory_space<vmem>>) semaphore(%arg9 : memref<!tpu.dma_semaphore, #tpu.memory_space<semaphore_mem>>) {add = true}
        %dma_start3A_669 = arith.constant 6 : i32
        %dma_start3A_670 = arith.constant 0 : i32
        %dma_start3A_671 = tpu.memref_slice %arg5[%dma_start3A_669, %add3A_626, %dma_start3A_670] : memref<10x14x112xi32, #tpu.memory_space<vmem>> -> memref<1x1x112xi32, #tpu.memory_space<vmem>>
        %dma_start3A_672 = tpu.memref_squeeze %dma_start3A_671 : memref<1x1x112xi32, #tpu.memory_space<vmem>> -> memref<112xi32, #tpu.memory_space<vmem>>
        %dma_start3A_673 = arith.constant 0 : i32
        %dma_start3A_674 = arith.constant 0 : i32
        %dma_start3A_675 = tpu.memref_slice %arg2[%dma_start3A_673, %dma_start3A_674] : memref<100000x128xf32, #tpu.memory_space<hbm>> -> memref<100000x128xf32, #tpu.memory_space<hbm>>
        tpu.enqueue_indirect_dma source(%dma_start3A_675 : memref<100000x128xf32, #tpu.memory_space<hbm>>) target(%arg6 : memref<112x128xf32, #tpu.memory_space<vmem>>) offsets(%dma_start3A_672 : memref<112xi32, #tpu.memory_space<vmem>>) semaphore(%arg9 : memref<!tpu.dma_semaphore, #tpu.memory_space<semaphore_mem>>) {add = true}
        %dma_start3A_676 = arith.constant 7 : i32
        %dma_start3A_677 = arith.constant 0 : i32
        %dma_start3A_678 = tpu.memref_slice %arg5[%dma_start3A_676, %add3A_626, %dma_start3A_677] : memref<10x14x112xi32, #tpu.memory_space<vmem>> -> memref<1x1x112xi32, #tpu.memory_space<vmem>>
        %dma_start3A_679 = tpu.memref_squeeze %dma_start3A_678 : memref<1x1x112xi32, #tpu.memory_space<vmem>> -> memref<112xi32, #tpu.memory_space<vmem>>
        %dma_start3A_680 = arith.constant 0 : i32
        %dma_start3A_681 = arith.constant 0 : i32
        %dma_start3A_682 = tpu.memref_slice %arg2[%dma_start3A_680, %dma_start3A_681] : memref<100000x128xf32, #tpu.memory_space<hbm>> -> memref<100000x128xf32, #tpu.memory_space<hbm>>
        tpu.enqueue_indirect_dma source(%dma_start3A_682 : memref<100000x128xf32, #tpu.memory_space<hbm>>) target(%arg6 : memref<112x128xf32, #tpu.memory_space<vmem>>) offsets(%dma_start3A_679 : memref<112xi32, #tpu.memory_space<vmem>>) semaphore(%arg9 : memref<!tpu.dma_semaphore, #tpu.memory_space<semaphore_mem>>) {add = true}
        %dma_start3A_683 = arith.constant 8 : i32
        %dma_start3A_684 = arith.constant 0 : i32
        %dma_start3A_685 = tpu.memref_slice %arg5[%dma_start3A_683, %add3A_626, %dma_start3A_684] : memref<10x14x112xi32, #tpu.memory_space<vmem>> -> memref<1x1x112xi32, #tpu.memory_space<vmem>>
        %dma_start3A_686 = tpu.memref_squeeze %dma_start3A_685 : memref<1x1x112xi32, #tpu.memory_space<vmem>> -> memref<112xi32, #tpu.memory_space<vmem>>
        %dma_start3A_687 = arith.constant 0 : i32
        %dma_start3A_688 = arith.constant 0 : i32
        %dma_start3A_689 = tpu.memref_slice %arg2[%dma_start3A_687, %dma_start3A_688] : memref<100000x128xf32, #tpu.memory_space<hbm>> -> memref<100000x128xf32, #tpu.memory_space<hbm>>
        tpu.enqueue_indirect_dma source(%dma_start3A_689 : memref<100000x128xf32, #tpu.memory_space<hbm>>) target(%arg6 : memref<112x128xf32, #tpu.memory_space<vmem>>) offsets(%dma_start3A_686 : memref<112xi32, #tpu.memory_space<vmem>>) semaphore(%arg9 : memref<!tpu.dma_semaphore, #tpu.memory_space<semaphore_mem>>) {add = true}
        %dma_start3A_690 = arith.constant 9 : i32
        %dma_start3A_691 = arith.constant 0 : i32
        %dma_start3A_692 = tpu.memref_slice %arg5[%dma_start3A_690, %add3A_626, %dma_start3A_691] : memref<10x14x112xi32, #tpu.memory_space<vmem>> -> memref<1x1x112xi32, #tpu.memory_space<vmem>>
        %dma_start3A_693 = tpu.memref_squeeze %dma_start3A_692 : memref<1x1x112xi32, #tpu.memory_space<vmem>> -> memref<112xi32, #tpu.memory_space<vmem>>
        %dma_start3A_694 = arith.constant 0 : i32
        %dma_start3A_695 = arith.constant 0 : i32
        %dma_start3A_696 = tpu.memref_slice %arg2[%dma_start3A_694, %dma_start3A_695] : memref<100000x128xf32, #tpu.memory_space<hbm>> -> memref<100000x128xf32, #tpu.memory_space<hbm>>
        tpu.enqueue_indirect_dma source(%dma_start3A_696 : memref<100000x128xf32, #tpu.memory_space<hbm>>) target(%arg6 : memref<112x128xf32, #tpu.memory_space<vmem>>) offsets(%dma_start3A_693 : memref<112xi32, #tpu.memory_space<vmem>>) semaphore(%arg9 : memref<!tpu.dma_semaphore, #tpu.memory_space<semaphore_mem>>) {add = true}
      } else {
      }
      %dma_wait3A_546 = arith.constant 0 : i32
      %dma_wait3A_547 = arith.constant 0 : i32
      %dma_wait3A_548 = tpu.memref_slice %arg5[%dma_wait3A_546, %add3A_538, %dma_wait3A_547] : memref<10x14x112xi32, #tpu.memory_space<vmem>> -> memref<1x1x112xi32, #tpu.memory_space<vmem>>
      %dma_wait3A_549 = tpu.memref_squeeze %dma_wait3A_548 : memref<1x1x112xi32, #tpu.memory_space<vmem>> -> memref<112xi32, #tpu.memory_space<vmem>>
      %dma_wait3A_550 = arith.constant 0 : i32
      %dma_wait3A_551 = arith.constant 0 : i32
      %dma_wait3A_552 = tpu.memref_slice %arg2[%dma_wait3A_550, %dma_wait3A_551] : memref<100000x128xf32, #tpu.memory_space<hbm>> -> memref<100000x128xf32, #tpu.memory_space<hbm>>
      tpu.wait_indirect_dma semaphore(%arg10 : memref<!tpu.dma_semaphore, #tpu.memory_space<semaphore_mem>>) src(%dma_wait3A_552 : memref<100000x128xf32, #tpu.memory_space<hbm>>) dst(%arg7 : memref<112x128xf32, #tpu.memory_space<vmem>>)
      %dma_wait3A_553 = arith.constant 1 : i32
      %dma_wait3A_554 = arith.constant 0 : i32
      %dma_wait3A_555 = tpu.memref_slice %arg5[%dma_wait3A_553, %add3A_538, %dma_wait3A_554] : memref<10x14x112xi32, #tpu.memory_space<vmem>> -> memref<1x1x112xi32, #tpu.memory_space<vmem>>
      %dma_wait3A_556 = tpu.memref_squeeze %dma_wait3A_555 : memref<1x1x112xi32, #tpu.memory_space<vmem>> -> memref<112xi32, #tpu.memory_space<vmem>>
      %dma_wait3A_557 = arith.constant 0 : i32
      %dma_wait3A_558 = arith.constant 0 : i32
      %dma_wait3A_559 = tpu.memref_slice %arg2[%dma_wait3A_557, %dma_wait3A_558] : memref<100000x128xf32, #tpu.memory_space<hbm>> -> memref<100000x128xf32, #tpu.memory_space<hbm>>
      tpu.wait_indirect_dma semaphore(%arg10 : memref<!tpu.dma_semaphore, #tpu.memory_space<semaphore_mem>>) src(%dma_wait3A_559 : memref<100000x128xf32, #tpu.memory_space<hbm>>) dst(%arg7 : memref<112x128xf32, #tpu.memory_space<vmem>>)
      %dma_wait3A_560 = arith.constant 2 : i32
      %dma_wait3A_561 = arith.constant 0 : i32
      %dma_wait3A_562 = tpu.memref_slice %arg5[%dma_wait3A_560, %add3A_538, %dma_wait3A_561] : memref<10x14x112xi32, #tpu.memory_space<vmem>> -> memref<1x1x112xi32, #tpu.memory_space<vmem>>
      %dma_wait3A_563 = tpu.memref_squeeze %dma_wait3A_562 : memref<1x1x112xi32, #tpu.memory_space<vmem>> -> memref<112xi32, #tpu.memory_space<vmem>>
      %dma_wait3A_564 = arith.constant 0 : i32
      %dma_wait3A_565 = arith.constant 0 : i32
      %dma_wait3A_566 = tpu.memref_slice %arg2[%dma_wait3A_564, %dma_wait3A_565] : memref<100000x128xf32, #tpu.memory_space<hbm>> -> memref<100000x128xf32, #tpu.memory_space<hbm>>
      tpu.wait_indirect_dma semaphore(%arg10 : memref<!tpu.dma_semaphore, #tpu.memory_space<semaphore_mem>>) src(%dma_wait3A_566 : memref<100000x128xf32, #tpu.memory_space<hbm>>) dst(%arg7 : memref<112x128xf32, #tpu.memory_space<vmem>>)
      %dma_wait3A_567 = arith.constant 3 : i32
      %dma_wait3A_568 = arith.constant 0 : i32
      %dma_wait3A_569 = tpu.memref_slice %arg5[%dma_wait3A_567, %add3A_538, %dma_wait3A_568] : memref<10x14x112xi32, #tpu.memory_space<vmem>> -> memref<1x1x112xi32, #tpu.memory_space<vmem>>
      %dma_wait3A_570 = tpu.memref_squeeze %dma_wait3A_569 : memref<1x1x112xi32, #tpu.memory_space<vmem>> -> memref<112xi32, #tpu.memory_space<vmem>>
      %dma_wait3A_571 = arith.constant 0 : i32
      %dma_wait3A_572 = arith.constant 0 : i32
      %dma_wait3A_573 = tpu.memref_slice %arg2[%dma_wait3A_571, %dma_wait3A_572] : memref<100000x128xf32, #tpu.memory_space<hbm>> -> memref<100000x128xf32, #tpu.memory_space<hbm>>
      tpu.wait_indirect_dma semaphore(%arg10 : memref<!tpu.dma_semaphore, #tpu.memory_space<semaphore_mem>>) src(%dma_wait3A_573 : memref<100000x128xf32, #tpu.memory_space<hbm>>) dst(%arg7 : memref<112x128xf32, #tpu.memory_space<vmem>>)
      %dma_wait3A_574 = arith.constant 4 : i32
      %dma_wait3A_575 = arith.constant 0 : i32
      %dma_wait3A_576 = tpu.memref_slice %arg5[%dma_wait3A_574, %add3A_538, %dma_wait3A_575] : memref<10x14x112xi32, #tpu.memory_space<vmem>> -> memref<1x1x112xi32, #tpu.memory_space<vmem>>
      %dma_wait3A_577 = tpu.memref_squeeze %dma_wait3A_576 : memref<1x1x112xi32, #tpu.memory_space<vmem>> -> memref<112xi32, #tpu.memory_space<vmem>>
      %dma_wait3A_578 = arith.constant 0 : i32
      %dma_wait3A_579 = arith.constant 0 : i32
      %dma_wait3A_580 = tpu.memref_slice %arg2[%dma_wait3A_578, %dma_wait3A_579] : memref<100000x128xf32, #tpu.memory_space<hbm>> -> memref<100000x128xf32, #tpu.memory_space<hbm>>
      tpu.wait_indirect_dma semaphore(%arg10 : memref<!tpu.dma_semaphore, #tpu.memory_space<semaphore_mem>>) src(%dma_wait3A_580 : memref<100000x128xf32, #tpu.memory_space<hbm>>) dst(%arg7 : memref<112x128xf32, #tpu.memory_space<vmem>>)
      %dma_wait3A_581 = arith.constant 5 : i32
      %dma_wait3A_582 = arith.constant 0 : i32
      %dma_wait3A_583 = tpu.memref_slice %arg5[%dma_wait3A_581, %add3A_538, %dma_wait3A_582] : memref<10x14x112xi32, #tpu.memory_space<vmem>> -> memref<1x1x112xi32, #tpu.memory_space<vmem>>
      %dma_wait3A_584 = tpu.memref_squeeze %dma_wait3A_583 : memref<1x1x112xi32, #tpu.memory_space<vmem>> -> memref<112xi32, #tpu.memory_space<vmem>>
      %dma_wait3A_585 = arith.constant 0 : i32
      %dma_wait3A_586 = arith.constant 0 : i32
      %dma_wait3A_587 = tpu.memref_slice %arg2[%dma_wait3A_585, %dma_wait3A_586] : memref<100000x128xf32, #tpu.memory_space<hbm>> -> memref<100000x128xf32, #tpu.memory_space<hbm>>
      tpu.wait_indirect_dma semaphore(%arg10 : memref<!tpu.dma_semaphore, #tpu.memory_space<semaphore_mem>>) src(%dma_wait3A_587 : memref<100000x128xf32, #tpu.memory_space<hbm>>) dst(%arg7 : memref<112x128xf32, #tpu.memory_space<vmem>>)
      %dma_wait3A_588 = arith.constant 6 : i32
      %dma_wait3A_589 = arith.constant 0 : i32
      %dma_wait3A_590 = tpu.memref_slice %arg5[%dma_wait3A_588, %add3A_538, %dma_wait3A_589] : memref<10x14x112xi32, #tpu.memory_space<vmem>> -> memref<1x1x112xi32, #tpu.memory_space<vmem>>
      %dma_wait3A_591 = tpu.memref_squeeze %dma_wait3A_590 : memref<1x1x112xi32, #tpu.memory_space<vmem>> -> memref<112xi32, #tpu.memory_space<vmem>>
      %dma_wait3A_592 = arith.constant 0 : i32
      %dma_wait3A_593 = arith.constant 0 : i32
      %dma_wait3A_594 = tpu.memref_slice %arg2[%dma_wait3A_592, %dma_wait3A_593] : memref<100000x128xf32, #tpu.memory_space<hbm>> -> memref<100000x128xf32, #tpu.memory_space<hbm>>
      tpu.wait_indirect_dma semaphore(%arg10 : memref<!tpu.dma_semaphore, #tpu.memory_space<semaphore_mem>>) src(%dma_wait3A_594 : memref<100000x128xf32, #tpu.memory_space<hbm>>) dst(%arg7 : memref<112x128xf32, #tpu.memory_space<vmem>>)
      %dma_wait3A_595 = arith.constant 7 : i32
      %dma_wait3A_596 = arith.constant 0 : i32
      %dma_wait3A_597 = tpu.memref_slice %arg5[%dma_wait3A_595, %add3A_538, %dma_wait3A_596] : memref<10x14x112xi32, #tpu.memory_space<vmem>> -> memref<1x1x112xi32, #tpu.memory_space<vmem>>
      %dma_wait3A_598 = tpu.memref_squeeze %dma_wait3A_597 : memref<1x1x112xi32, #tpu.memory_space<vmem>> -> memref<112xi32, #tpu.memory_space<vmem>>
      %dma_wait3A_599 = arith.constant 0 : i32
      %dma_wait3A_600 = arith.constant 0 : i32
      %dma_wait3A_601 = tpu.memref_slice %arg2[%dma_wait3A_599, %dma_wait3A_600] : memref<100000x128xf32, #tpu.memory_space<hbm>> -> memref<100000x128xf32, #tpu.memory_space<hbm>>
      tpu.wait_indirect_dma semaphore(%arg10 : memref<!tpu.dma_semaphore, #tpu.memory_space<semaphore_mem>>) src(%dma_wait3A_601 : memref<100000x128xf32, #tpu.memory_space<hbm>>) dst(%arg7 : memref<112x128xf32, #tpu.memory_space<vmem>>)
      %dma_wait3A_602 = arith.constant 8 : i32
      %dma_wait3A_603 = arith.constant 0 : i32
      %dma_wait3A_604 = tpu.memref_slice %arg5[%dma_wait3A_602, %add3A_538, %dma_wait3A_603] : memref<10x14x112xi32, #tpu.memory_space<vmem>> -> memref<1x1x112xi32, #tpu.memory_space<vmem>>
      %dma_wait3A_605 = tpu.memref_squeeze %dma_wait3A_604 : memref<1x1x112xi32, #tpu.memory_space<vmem>> -> memref<112xi32, #tpu.memory_space<vmem>>
      %dma_wait3A_606 = arith.constant 0 : i32
      %dma_wait3A_607 = arith.constant 0 : i32
      %dma_wait3A_608 = tpu.memref_slice %arg2[%dma_wait3A_606, %dma_wait3A_607] : memref<100000x128xf32, #tpu.memory_space<hbm>> -> memref<100000x128xf32, #tpu.memory_space<hbm>>
      tpu.wait_indirect_dma semaphore(%arg10 : memref<!tpu.dma_semaphore, #tpu.memory_space<semaphore_mem>>) src(%dma_wait3A_608 : memref<100000x128xf32, #tpu.memory_space<hbm>>) dst(%arg7 : memref<112x128xf32, #tpu.memory_space<vmem>>)
      %dma_wait3A_609 = arith.constant 9 : i32
      %dma_wait3A_610 = arith.constant 0 : i32
      %dma_wait3A_611 = tpu.memref_slice %arg5[%dma_wait3A_609, %add3A_538, %dma_wait3A_610] : memref<10x14x112xi32, #tpu.memory_space<vmem>> -> memref<1x1x112xi32, #tpu.memory_space<vmem>>
      %dma_wait3A_612 = tpu.memref_squeeze %dma_wait3A_611 : memref<1x1x112xi32, #tpu.memory_space<vmem>> -> memref<112xi32, #tpu.memory_space<vmem>>
      %dma_wait3A_613 = arith.constant 0 : i32
      %dma_wait3A_614 = arith.constant 0 : i32
      %dma_wait3A_615 = tpu.memref_slice %arg2[%dma_wait3A_613, %dma_wait3A_614] : memref<100000x128xf32, #tpu.memory_space<hbm>> -> memref<100000x128xf32, #tpu.memory_space<hbm>>
      tpu.wait_indirect_dma semaphore(%arg10 : memref<!tpu.dma_semaphore, #tpu.memory_space<semaphore_mem>>) src(%dma_wait3A_615 : memref<100000x128xf32, #tpu.memory_space<hbm>>) dst(%arg7 : memref<112x128xf32, #tpu.memory_space<vmem>>)
      %mul3A_616 = arith.constant 112 : i32
      %mul3A_617 = arith.muli %add3A_538, %mul3A_616 : i32
      %add3A_618 = arith.addi %mul3A_2, %mul3A_617 : i32
      "tpu.region"() ({
        %run_scoped3A = tpu.sem_alloc : memref<!tpu.dma_semaphore, #tpu.memory_space<semaphore_mem>>
        %dma_start3A_619 = arith.constant 0 : i32
        %dma_start3A_620 = tpu.memref_slice %arg4[%add3A_618, %dma_start3A_619] : memref<50176x128xf32, #tpu.memory_space<hbm>> -> memref<112x128xf32, #tpu.memory_space<hbm>>
        %dma_start3A_621 = arith.constant 0 : i32
        %dma_start3A_622 = tpu.memref_slice %arg4[%add3A_618, %dma_start3A_621] : memref<50176x128xf32, #tpu.memory_space<hbm>> -> memref<112x128xf32, #tpu.memory_space<hbm>>
        tpu.enqueue_dma source(%arg7 : memref<112x128xf32, #tpu.memory_space<vmem>>) target(%dma_start3A_622 : memref<112x128xf32, #tpu.memory_space<hbm>>) target_semaphore(%run_scoped3A : memref<!tpu.dma_semaphore, #tpu.memory_space<semaphore_mem>>)
        %dma_wait3A_623 = arith.constant 0 : i32
        %dma_wait3A_624 = tpu.memref_slice %arg4[%add3A_618, %dma_wait3A_623] : memref<50176x128xf32, #tpu.memory_space<hbm>> -> memref<112x128xf32, #tpu.memory_space<hbm>>
        %dma_wait3A_625 = arith.constant 0 : i32
        %dma_wait3A_626 = tpu.memref_slice %arg4[%add3A_618, %dma_wait3A_625] : memref<50176x128xf32, #tpu.memory_space<hbm>> -> memref<112x128xf32, #tpu.memory_space<hbm>>
        tpu.wait_dma2 semaphore(%run_scoped3A : memref<!tpu.dma_semaphore, #tpu.memory_space<semaphore_mem>>) src(%arg7 : memref<112x128xf32, #tpu.memory_space<vmem>>) dst(%dma_wait3A_626 : memref<112x128xf32, #tpu.memory_space<hbm>>)
        tpu.yield
      }) : () -> ()
    }
    %scan3A_452 = arith.constant 7 : i32
    return
  }
}

module attributes {stable_mosaic.version = 14 : i64} {
  func.func @_mm_body(%arg0: i32, %arg1: memref<1000x128xf32, #tpu.memory_space<vmem>>, %arg2: memref<1000x128xf32, #tpu.memory_space<vmem>>, %arg3: memref<128x128xf32, #tpu.memory_space<vmem>>, %arg4: memref<128x128xf32, #tpu.memory_space<vmem>>, %arg5: memref<1000x128xf32, #tpu.memory_space<vmem>>) attributes {dimension_semantics = [#tpu.dimension_semantics<arbitrary>], iteration_bounds = array<i64: 50>, scalar_prefetch = 0 : i64, scratch_operands = 0 : i64, tpu.core_type = #tpu.core_type<tc>, window_params = [{transform_indices = @transform_0, window_bounds = array<i64: 1000, 128>}, {transform_indices = @transform_1, window_bounds = array<i64: 1000, 128>}, {pipeline_mode = #tpu.pipeline_mode<synchronous>, transform_indices = @transform_2, window_bounds = array<i64: 128, 128>}, {pipeline_mode = #tpu.pipeline_mode<synchronous>, transform_indices = @transform_3, window_bounds = array<i64: 128, 128>}, {transform_indices = @transform_4, window_bounds = array<i64: 1000, 128>}]} {
    %get3A = arith.constant 0 : index
    %get3A_0 = arith.constant 0 : index
    %get3A_1 = vector.load %arg1[%get3A, %get3A_0] : memref<1000x128xf32, #tpu.memory_space<vmem>>, vector<1000x128xf32>
    %get3A_2 = arith.constant 0 : index
    %get3A_3 = arith.constant 0 : index
    %get3A_4 = vector.load %arg2[%get3A_2, %get3A_3] : memref<1000x128xf32, #tpu.memory_space<vmem>>, vector<1000x128xf32>
    %mul3A = arith.constant 1.000000e-01 : f32
    %mul3A_5 = vector.broadcast %mul3A : f32 to vector<1000x128xf32>
    %mul3A_6 = arith.mulf %get3A_4, %mul3A_5 : vector<1000x128xf32>
    %get3A_7 = arith.constant 0 : index
    %get3A_8 = arith.constant 0 : index
    %get3A_9 = vector.load %arg3[%get3A_7, %get3A_8] : memref<128x128xf32, #tpu.memory_space<vmem>>, vector<128x128xf32>
    %dot_general3A = arith.constant dense<0.000000e+00> : vector<1000x128xf32>
    %dot_general3A_10 = tpu.matmul %get3A_1, %get3A_9, %dot_general3A {dimension_numbers = #tpu.dot_dimension_numbers<[1], [0], [0], [1], [0, 0, 1, 1], [], []>, transpose_lhs_hint = false} : vector<1000x128xf32>, vector<128x128xf32>, vector<1000x128xf32> -> vector<1000x128xf32>
    %get3A_11 = arith.constant 0 : index
    %get3A_12 = arith.constant 0 : index
    %get3A_13 = vector.load %arg4[%get3A_11, %get3A_12] : memref<128x128xf32, #tpu.memory_space<vmem>>, vector<128x128xf32>
    %dot_general3A_14 = arith.constant dense<0.000000e+00> : vector<1000x128xf32>
    %dot_general3A_15 = tpu.matmul %mul3A_6, %get3A_13, %dot_general3A_14 {dimension_numbers = #tpu.dot_dimension_numbers<[1], [0], [0], [1], [0, 0, 1, 1], [], []>, transpose_lhs_hint = false} : vector<1000x128xf32>, vector<128x128xf32>, vector<1000x128xf32> -> vector<1000x128xf32>
    %add3A = arith.addf %dot_general3A_10, %dot_general3A_15 : vector<1000x128xf32>
    %max3A = arith.constant 0.000000e+00 : f32
    %max3A_16 = vector.broadcast %max3A : f32 to vector<1000x128xf32>
    %max3A_17 = arith.maximumf %add3A, %max3A_16 : vector<1000x128xf32>
    %swap3A = arith.constant 0 : index
    %swap3A_18 = arith.constant 0 : index
    %swap3A_19 = vector.load %arg5[%swap3A, %swap3A_18] : memref<1000x128xf32, #tpu.memory_space<vmem>>, vector<1000x128xf32>
    tpu.vector_store %arg5[%swap3A, %swap3A_18], %max3A_17 {strides = array<i32>} : memref<1000x128xf32, #tpu.memory_space<vmem>>, vector<1000x128xf32>,
    return
  }
  func.func @transform_0(%arg0: i32) -> (i32, i32) {
    %c0_i32 = arith.constant 0 : i32
    %c0_i32_0 = arith.constant 0 : i32
    return %arg0, %c0_i32 : i32, i32
  }
  func.func @transform_1(%arg0: i32) -> (i32, i32) {
    %c0_i32 = arith.constant 0 : i32
    %c0_i32_0 = arith.constant 0 : i32
    return %arg0, %c0_i32 : i32, i32
  }
  func.func @transform_2(%arg0: i32) -> (i32, i32) {
    %c0_i32 = arith.constant 0 : i32
    %c0_i32_0 = arith.constant 0 : i32
    %c0_i32_1 = arith.constant 0 : i32
    return %c0_i32, %c0_i32_0 : i32, i32
  }
  func.func @transform_3(%arg0: i32) -> (i32, i32) {
    %c0_i32 = arith.constant 0 : i32
    %c0_i32_0 = arith.constant 0 : i32
    %c0_i32_1 = arith.constant 0 : i32
    return %c0_i32, %c0_i32_0 : i32, i32
  }
  func.func @transform_4(%arg0: i32) -> (i32, i32) {
    %c0_i32 = arith.constant 0 : i32
    %c0_i32_0 = arith.constant 0 : i32
    return %arg0, %c0_i32 : i32, i32
  }
}

</mosaic_0001>

<sc_bundles>
// kernel: sage_sc_stage1.3.cloned.1.call-start
scs
__scs_entry_jumppad:
0x0: {  	(pc) =	sbr.rel $0x88, $3  }
0x1: {  	(tag) =	ssettag $0x0;
	lr =	simm.s32 $0x1  }
0x2: {  	[smem:$0x3F9D] =	sst lr;
	_ =	strace $0xD0000000  }
0x3: {  	_ = 	snop  }
0x4: {  	_ = 	snop  }
0x5: {  	_ = 	snop  }
0x6: {  	_ = 	snop  }
0x7: {  	_ = 	snop  }
__scs_overlays_trampoline_lowered:
0x8: {  	[smem:$0x3FAC] =	sst s0  }
0x9: {  	[smem:$0x3FAD] =	sst s1  }
0xa: {  	[smem:$0x3FAE] =	sst s2  }
0xb: {  	[smem:$0x3FAF] =	sst s3  }
0xc: {  	[smem:$0x3FB0] =	sst s4  }
0xd: {  	[smem:$0x3FB1] =	sst s5  }
0xe: {  	[smem:$0x3FB2] =	sst s6  }
0xf: {  	[smem:$0x3FB3] =	sst s7  }
0x10: {  	[smem:$0x3FB4] =	sst s8  }
0x11: {  	[smem:$0x3FB5] =	sst s9;
	s0 =	simm.s32 @!p0 $0x0  }
0x12: {  	s1 =	sld [smem:$0x3F9B];
	s0 =	simm.s32 @p0 $0x1  }
0x13: {  	[smem:$0x3FB6] =	sst s0;
	s0 =	simm.s32 @!p1 $0x0  }
0x14: {  	s2 =	sld [smem:$0x3F9A];
	s0 =	simm.s32 @p1 $0x1  }
0x15: {  	[smem:$0x3FB7] =	sst s0;
	s0 =	simm.s32 @!p2 $0x0  }
0x16: {  	s3 =	sld [smem:$0x3FDB];
	s0 =	simm.s32 @p2 $0x1  }
0x17: {  	s4 =	simm.s32 $0x1BF5;
	[smem:$0x3FB9] =	sst s0  }
0x18: {  	s0 =	sld [smem:$0x3F9C];
	_ =	swait.ge [sflag:s4], $0x0  }
0x19: {  	s7 =	sld [smem:$0x3F9D]  }
0x1a: {  	s8 =	sadd.s32 $0xFFFFE003, lr  }
0x1b: {  	s9 =	sadd.s32 $0xFFFFFEF7, lr;
	s5 =	simm.s32 $0xFFFFFFFF;
	p2 =	slt.u32 s8, $0xFFFFF086  }
0x1c: {  	p1 =	slt.u32 s9, $0xF7A;
	s5 =	simm.s32 @!p2 $0x0  }
0x1d: {  	s5 =	simm.s32 @p1 $0x1;
	p0 =	seq.s32 s7, s2  }
0x1e: {  	s7 =	smul.u32 @!p0 $0xF7A, s2;
	p2 =	seq.s32 @!p0 s5, $0x0  }
0x1f: {  	s9 =	smul.u32 $0xF7A, s1;
	s8 =	simm.s32 @!p0 $0x1BF5;
	p2 =	por !p2, p0  }
0x20: {  	[sflag:s8] =	ssyncset.s32 @!p0 $0xFFFFF086;
	s6 =	sadd.s32 @!p0 s3, s7;
	s7 =	simm.s32 @!p0 $0x108  }
0x21: {  	s3 =	sadd.s32 s3, s9;
	s6 =	sadd.s32 @!p0 $0x88, s6;
	s7 =	simm.s32 @p2 $0x1082  }
0x22: {  	[simem:s7], [sflag:s8] =	dma.local @!p0 [hbm:s6], $0xF7A  }
0x23: {  	s9 =	sor.u32 $0xD0000000, s2;
	s6 =	simm.s32 $0x108;
	_ =	swait.ge @!p0 [sflag:s8], $0x0  }
0x24: {  	s3 =	sadd.s32 $0x88, s3;
	s6 =	simm.s32 @!p1 $0x1082;
	[sflag:s4] =	ssyncset.s32 $0xFFFFF086  }
0x25: {  	[simem:s6], [sflag:s4] =	dma.local [hbm:s3], $0xF7A  }
0x26: {  	[smem:$0x3F9D] =	sst s1;
	(tag) =	ssettag s2;
	_ =	strace s9  }
0x27: {  	s1 =	sld [smem:$0x3FAD]  }
0x28: {  	s2 =	sld [smem:$0x3FAE]  }
0x29: {  	s4 =	sld [smem:$0x3FB0]  }
0x2a: {  	p0 =	seq.s32 s5, $0x0;
	s5 =	sld [smem:$0x3FB1]  }
0x2b: {  	s6 =	sld [smem:$0x3FB2]  }
0x2c: {  	s7 =	sld [smem:$0x3FB3]  }
0x2d: {  	s3 =	simm.s32 $0x108;
	s8 =	sld [smem:$0x3FB4]  }
0x2e: {  	s3 =	simm.s32 @!p0 $0x1082;
	s9 =	sld [smem:$0x3FB5]  }
0x2f: {  	lr =	sadd.s32 s0, s3;
	s0 =	sld [smem:$0x3FAC]  }
0x30: {  	s3 =	sld [smem:$0x3FAF]  }
0x31: {  	[smem:$0x3FB8] =	sst s10  }
0x32: {  	s10 =	sld [smem:$0x3FB6];
	_ =	sdelay $0x3  }
0x33: {  	p0 =	seq.s32 s10, $0x1;
	s10 =	sld [smem:$0x3FB8];
	_ =	sdelay $0x3  }
0x34: {  	[smem:$0x3FB8] =	sst s10  }
0x35: {  	s10 =	sld [smem:$0x3FB7];
	_ =	sdelay $0x3  }
0x36: {  	p1 =	seq.s32 s10, $0x1;
	s10 =	sld [smem:$0x3FB8];
	_ =	sdelay $0x3  }
0x37: {  	[smem:$0x3FB8] =	sst s10  }
0x38: {  	s10 =	sld [smem:$0x3FB9]  }
0x39: {  	_ = 	snop;
	(pc) =	sbr.ind lr, $3  }
0x3a: {  	_ = 	snop  }
0x3b: {  	_ = 	snop  }
0x3c: {  	p2 =	seq.s32 s10, $0x1;
	s10 =	sld [smem:$0x3FB8]  }
0x3d: {  	_ =	shalt  }
0x3e: {  	_ =	shalt  }
0x3f: {  	_ =	shalt  }
0x40: {  	_ =	shalt  }
0x41: {  	_ =	shalt  }
0x42: {  	_ =	shalt  }
0x43: {  	_ =	shalt  }
0x44: {  	_ =	shalt  }
0x45: {  	_ =	shalt  }
0x46: {  	_ =	shalt  }
0x47: {  	_ =	shalt  }
0x48: {  	_ =	shalt  }
0x49: {  	_ =	shalt  }
0x4a: {  	_ =	shalt  }
0x4b: {  	_ =	shalt  }
0x4c: {  	_ =	shalt  }
0x4d: {  	_ =	shalt  }
0x4e: {  	_ =	shalt  }
0x4f: {  	_ =	shalt  }
0x50: {  	_ =	shalt  }
0x51: {  	_ =	shalt  }
0x52: {  	_ =	shalt  }
0x53: {  	_ =	shalt  }
0x54: {  	_ =	shalt  }
0x55: {  	_ =	shalt  }
0x56: {  	_ =	shalt  }
0x57: {  	_ =	shalt  }
0x58: {  	_ =	shalt  }
0x59: {  	_ =	shalt  }
0x5a: {  	_ =	shalt  }
0x5b: {  	_ =	shalt  }
0x5c: {  	_ =	shalt  }
0x5d: {  	_ =	shalt  }
0x5e: {  	_ =	shalt  }
0x5f: {  	_ =	shalt  }
0x60: {  	_ =	shalt  }
0x61: {  	_ =	shalt  }
0x62: {  	_ =	shalt  }
0x63: {  	_ =	shalt  }
0x64: {  	_ =	shalt  }
0x65: {  	_ =	shalt  }
0x66: {  	_ =	shalt  }
0x67: {  	_ =	shalt  }
0x68: {  	_ =	shalt  }
0x69: {  	_ =	shalt  }
0x6a: {  	_ =	shalt  }
0x6b: {  	_ =	shalt  }
0x6c: {  	_ =	shalt  }
0x6d: {  	_ =	shalt  }
0x6e: {  	_ =	shalt  }
0x6f: {  	_ =	shalt  }
0x70: {  	_ =	shalt  }
0x71: {  	_ =	shalt  }
0x72: {  	_ =	shalt  }
0x73: {  	_ =	shalt  }
0x74: {  	_ =	shalt  }
0x75: {  	_ =	shalt  }
0x76: {  	_ =	shalt  }
0x77: {  	_ =	shalt  }
0x78: {  	_ =	shalt  }
0x79: {  	_ =	shalt  }
0x7a: {  	_ =	shalt  }
0x7b: {  	_ =	shalt  }
0x7c: {  	_ =	shalt  }
0x7d: {  	_ =	shalt  }
0x7e: {  	_ =	shalt  }
0x7f: {  	_ =	shalt  }
0x80: {  	_ =	shalt  }
0x81: {  	_ =	shalt  }
0x82: {  	_ =	shalt  }
0x83: {  	_ =	shalt  }
0x84: {  	_ =	shalt  }
0x85: {  	_ =	shalt  }
0x86: {  	_ =	shalt  }
0x87: {  	_ =	shalt  }
.Lfunc_end0:
.L_simem_size_0:
called_computation_lowered:
.L_overlay_start_0:
0x88: {  	s2 =	sld [smem:$0x3FD9]  }
0x89: {  	s3 =	sld [smem:$0x3FFE];
	_ =	sdelay $0x1  }
0x8a: {  	s1 =	srdreg.scid  }
0x8b: {  	s0 =	sand.u32 $0x1, s1  }
0x8c: {  	s17 =	sshll.u32 s0, $0xA;
	s2 =	sadd.s32 s3, s2  }
0x8d: {  	s2 =	sadd.s32 s2, s17  }
0x8e: {  	[smem:$0x3FC4] =	sst s2  }
0x8f: {  	_ = 	snop  }
0x90: {  	s2 =	sld [smem:$0x3FC9]  }
0x91: {  	s18 =	sld [smem:$0x3FD0];
	(tm) =	ssettm $0x1  }
0x92: {  	s4 =	sld [smem:$0x3FFB];
	_ =	sdelay $0x3  }
0x93: {  	_ =	strace s4  }
0x94: {  	s4 =	sld [smem:$0x3FFC];
	_ =	sdelay $0x3  }
0x95: {  	_ =	strace s4  }
0x96: {  	s4 =	sld [smem:$0x3FFD];
	_ =	sdelay $0x3  }
0x97: {  	_ =	strace s4  }
0x98: {  	_ =	strace $0x8FFFFFFF  }
0x99: {  	s19 =	sld [smem:$0x3FDB];
	_ =	sdelay $0x1  }
0x9a: {  	s5 =	simm.s32 $_scs_section_size  }
0x9b: {  	s6 =	simm.s32 $_size__tile_overlayer_lowered;
	s7 =	simm.s32 $_tile_overlayer_lowered  }
0x9c: {  	s22 =	simm.s32 $0x1BFF;
	s21 =	sshll.u32 s7, $0x1;
	s4 =	sadd.s32 s5, s19  }
0x9d: {  	s8 =	simm.s32 $0x0;
	s20 =	sshll.u32 s6, $0x1;
	s6 =	sadd.s32 s21, s4  }
0x9e: {  	[timem:s8], [sflag:s22] =	dma.local [hbm:s6], s20  }
0x9f: {  	_ =	swait.ge [sflag:s22], s20  }
0xa0: {  	s5 =	ssub.s32 $0x0, s20;
	[sflag:s22] =	ssyncset.done $0x0  }
0xa1: {  	[sflag:s22] =	ssyncadd.s32 s5;
	_ =	sdelay $0x1  }
0xa2: {  	s23 =	simm.s32 $0x1B8B  }
0xa3: {  	_ =	swait.ge [sflag:s23], $0x1  }
0xa4: {  	[sflag:s23] =	ssyncset.done $0x0  }
0xa5: {  	s25 =	simm.s32 $0x1B8E;
	s24 =	sld [smem:$0x3FFE];
	[sflag:s23] =	ssyncadd.s32 $0xFFFFFFFF  }
0xa6: {  	s26 =	simm.s32 $execute0_lowered;
	[smem:$0x3FD2] =	sst s25  }
0xa7: {  	s6 =	sshll.u32 s26, $0x1;
	_ =	strace $0x80000046;
	[dreg:$0x1] =	wrdreg $0xFFFFFFFF  }
0xa8: {  	s28 =	simm.s32 $_size_execute0_lowered;
	s4 =	sadd.s32 s4, s6;
	[dreg:$0x0] =	wrdreg $0x0  }
0xa9: {  	s6 =	sshll.u32 s28, $0x1;
	[dreg:$0x2] =	wrdreg s4  }
0xaa: {  	[dreg:$0x3] =	wrdreg s6  }
0xab: {  	[dreg:$0x4] =	wrdreg $0xC0  }
0xac: {  	_ =	task [dreg:s8], $0x5FFFF  }
0xad: {  	[dreg:$0x1] =	wrdreg $0xFFFFFFFF  }
0xae: {  	[dreg:$0x0] =	wrdreg $0x60  }
0xaf: {  	[dreg:$0x2] =	wrdreg s2  }
0xb0: {  	[dreg:$0x3] =	wrdreg s24  }
0xb1: {  	[dreg:$0x4] =	wrdreg s18  }
0xb2: {  	[dreg:$0x5] =	wrdreg $0x9  }
0xb3: {  	_ =	task.clear_ibuf [dreg:s8], $0x6FFFF;
	_ =	strace $0x90000046  }
0xb4: {  	s29 =	simm.s32 $0x9;
	_ =	strace $0x80000048  }
0xb5: {  	_ =	swait.ge [sflag:s29], $0x1  }
0xb6: {  	[sflag:s29] =	ssyncadd.s32 $0xFFFFFFFF  }
0xb7: {  	_ =	strace $0x90000048  }
0xb8: {  	_ =	sfence  }
0xb9: {  	s30 =	sld [smem:$0x0];
	_ =	sdelay $0x2  }
0xba: {  	s31 =	sshll.u32 s1, $0xD;
	s1 =	sshrl.u32 s1, $0x2  }
0xbb: {  	s3 =	sand.u32 $0x4000, s31;
	s1 =	sadd.s32 s1, s30  }
0xbc: {  	s0 =	sor.u32 s3, s0;
	s1 =	sshll.u32 s1, $0x11  }
0xbd: {  	s0 =	sor.u32 s1, s0  }
0xbe: {  	s0 =	sadd.s32 $0x8F2B, s0  }
0xbf: {  	[sflag:s0] =	ssyncadd.remote.s32 $0x1  }
0xc0: {  	_ =	sfence.sel $0xFFFF  }
0xc1: {  	[dreg:$0x0] =	wrdreg $0xFFFFFFFF;
	(pc) =	sbr.abs _section_cstart, $3  }
0xc2: {  	[dreg:$0x1] =	wrdreg $0xFFFFFFFF  }
0xc3: {  	_ =	task.clear_ibuf [dreg:s8], $0x2FFFF;
	_ =	strace $0x9FFFFFFF  }
0xc4: {  	(tm) =	ssettm $0x7FFFFFFF  }
0xc5: {  	_ =	shalt  }
tec
execute0_lowered:
.L_overlay_start_1:
0x0: {  	(tag) =	ssettag $0x1  }
0x1: {  	s1 =	rddreg [dreg:$0x0]  }
0x2: {  	s5 =	rddreg [dreg:$0x1]  }
0x3: {  	s6 =	rddreg [dreg:$0x2]  }
0x4: {  	s0 =	rddreg [dreg:$0x3]  }
0x5: {  	s3 =	simm.s32 $0x0;
	s4 =	srdreg.scid;
	s2 =	stileid.u32  }
0x6: {  	s16 =	simm.s32 $0x7800;
	s17 =	simm.s32 $0x4000;
	s18 =	simm.s32 $0xB000  }
0x7: {  	s19 =	simm.s32 $0x1;
	s20 =	simm.s32 $0x3;
	s21 =	simm.s32 $0x2  }
0x8: {  	s22 =	simm.s32 $0x4;
	s23 =	simm.s32 $0x680;
	s24 =	simm.s32 $0x0  }
0x9: {  	[smem:$0x7FF] =	sst s3;
	s9 =	sand.u32 $0x1, s4;
	s7 =	sshll.u32 s2, $0x1  }
0xa: {  	s4 =	sadd.s32 $0x187C00, s5;
	s10 =	sadd.s32 $0x1200, s5;
	s14 =	smul.u32 $0xC400, s2  }
0xb: {  	s12 =	sadd.s32 $0x30E600, s5;
	s7 =	sor.u32 s9, s7;
	s31 =	smul.u32 $0x6200, s9  }
0xc: {  	_ =	strace $0x80000047;
	s8 =	ssub.s32 $0x2, s9;
	s11 =	smul.u32 $0x6200, s7  }
0xd: {  	s30 =	sshrl.u32 s8, $0x1;
	s7 =	sshll.u32 s7, $0x8;
	s15 =	sadd.s32 s14, s10  }
0xe: {  	s14 =	sadd.s32 s14, s12;
	s8 =	ssub.s32 s8, s30;
	s5 =	sadd.s32 s6, s7  }
0xf: {  	s13 =	sadd.s32 $0x5400, s11;
	s6 =	smax.u32 s8, $0x1;
	s11 =	sadd.s32 $0x5B00, s11  }
0x10: {  	s7 =	sadd.s32 s10, s13;
	s8 =	sadd.s32 s12, s13;
	s9 =	sadd.s32 s10, s11  }
0x11: {  	s10 =	sadd.s32 s12, s11;
	s11 =	sadd.s32 s31, s15;
	s12 =	sadd.s32 s31, s14  }
0x12: {  	s13 =	simm.s32 $0x5;
	s14 =	simm.s32 $0x70;
	s15 =	simm.s32 $0x800  }
.LBB2_1:
0x13: {  	[tilespmem:s3], [sflag:$0x5] =	stream.linear.gather [hbm4b:s5+s3], $0x700, $0x38;
	[tilespmem:$0xE800] =	vst v63  }
0x14: {  	_ =	swait.ge [sflag:s13], $0x700  }
0x15: {  	[sflag:s13] =	ssyncset.done $0x0  }
0x16: {  	[sflag:s13] =	ssyncadd.s32 $0xFFFFF900  }
0x17: {  	[tilespmem:s15], [sflag:$0x1] =	stream.indirect.gather [hbm4b:s4+s14], $0x80, s3, s14, $0xb8;
	[tilespmem:$0xE800] =	vst v63  }
0x18: {  	_ = 	snop  }
0x19: {  	[tilespmem:s16], [sflag:$0x3] =	stream.indirect.gather [hbm4b:s1+s14], $0x80, s3, s14, $0xb8;
	[tilespmem:$0xE800] =	vst v63  }
0x1a: {  	s25 =	simm.s32 $0x80  }
0x1b: {  	[tilespmem:s17], [sflag:$0x2] =	stream.indirect.gather [hbm4b:s4+s14], $0x80, s25, s14, $0xb8;
	[tilespmem:$0xE800] =	vst v63  }
0x1c: {  	_ = 	snop  }
0x1d: {  	[tilespmem:s18], [sflag:$0x4] =	stream.indirect.gather [hbm4b:s1+s14], $0x80, s25, s14, $0xb8;
	[tilespmem:$0xE800] =	vst v63  }
0x1e: {  	_ =	swait.ge [sflag:s19], $0x3800  }
0x1f: {  	[sflag:s19] =	ssyncset.done $0x0  }
0x20: {  	s26 =	sadd.s32 $0x0, s11;
	[sflag:s19] =	ssyncadd.s32 $0xFFFFC800  }
0x21: {  	[hbm4b:s26+s3] =	stream.linear.scatter [tilespmem:s15], [sflag:$0x5], $0x3800, $0x38;
	[tilespmem:$0xE800] =	vst v63  }
0x22: {  	_ =	swait.ge [sflag:s13], $0x3800  }
0x23: {  	[sflag:s13] =	ssyncset.done $0x0  }
0x24: {  	[sflag:s13] =	ssyncadd.s32 $0xFFFFC800  }
0x25: {  	_ =	swait.ge [sflag:s20], $0x3800  }
0x26: {  	[sflag:s20] =	ssyncset.done $0x0  }
0x27: {  	s28 =	sadd.s32 $0x0, s12;
	[sflag:s20] =	ssyncadd.s32 $0xFFFFC800  }
0x28: {  	[hbm4b:s28+s3] =	stream.linear.scatter [tilespmem:s16], [sflag:$0x5], $0x3800, $0x38;
	[tilespmem:$0xE800] =	vst v63  }
0x29: {  	_ =	swait.ge [sflag:s13], $0x3800  }
0x2a: {  	[sflag:s13] =	ssyncset.done $0x0  }
0x2b: {  	s29 =	simm.s32 $0x100;
	[sflag:s13] =	ssyncadd.s32 $0xFFFFC800  }
0x2c: {  	[tilespmem:s15], [sflag:$0x1] =	stream.indirect.gather [hbm4b:s4+s14], $0x80, s29, s14, $0xb8;
	[tilespmem:$0xE800] =	vst v63  }
0x2d: {  	_ = 	snop  }
0x2e: {  	[tilespmem:s16], [sflag:$0x3] =	stream.indirect.gather [hbm4b:s1+s14], $0x80, s29, s14, $0xb8;
	[tilespmem:$0xE800] =	vst v63  }
0x2f: {  	_ =	swait.ge [sflag:s21], $0x3800  }
0x30: {  	[sflag:s21] =	ssyncset.done $0x0  }
0x31: {  	s26 =	sadd.s32 $0x700, s26;
	[sflag:s21] =	ssyncadd.s32 $0xFFFFC800  }
0x32: {  	[hbm4b:s26+s3] =	stream.linear.scatter [tilespmem:s17], [sflag:$0x5], $0x3800, $0x38;
	[tilespmem:$0xE800] =	vst v63  }
0x33: {  	_ =	swait.ge [sflag:s13], $0x3800  }
0x34: {  	[sflag:s13] =	ssyncset.done $0x0  }
0x35: {  	[sflag:s13] =	ssyncadd.s32 $0xFFFFC800  }
0x36: {  	_ =	swait.ge [sflag:s22], $0x3800  }
0x37: {  	[sflag:s22] =	ssyncset.done $0x0  }
0x38: {  	s31 =	sadd.s32 $0x700, s28;
	[sflag:s22] =	ssyncadd.s32 $0xFFFFC800  }
0x39: {  	[hbm4b:s31+s3] =	stream.linear.scatter [tilespmem:s18], [sflag:$0x5], $0x3800, $0x38;
	[tilespmem:$0xE800] =	vst v63  }
0x3a: {  	_ =	swait.ge [sflag:s13], $0x3800  }
0x3b: {  	s26 =	simm.s32 $0xE00;
	[sflag:s13] =	ssyncset.done $0x0  }
.LBB2_2:
0x3c: {  	p0 =	sne.s32 s26, $0x4600;
	[sflag:s13] =	ssyncadd.s32 $0xFFFFC800;
	s25 =	sadd.s32 $0x100, s25  }
0x3d: {  	[tilespmem:s17], [sflag:$0x2] =	stream.indirect.gather [hbm4b:s4+s14], $0x80, s25, s14, $0xb8;
	[tilespmem:$0xE800] =	vst v63  }
0x3e: {  	s28 =	smov.u32 s26;
	s26 =	sadd.s32 $0xE00, s26  }
0x3f: {  	[tilespmem:s18], [sflag:$0x4] =	stream.indirect.gather [hbm4b:s1+s14], $0x80, s25, s14, $0xb8;
	[tilespmem:$0xE800] =	vst v63  }
0x40: {  	_ =	swait.ge [sflag:s19], $0x3800  }
0x41: {  	[sflag:s19] =	ssyncset.done $0x0  }
0x42: {  	s29 =	sadd.s32 s28, s11;
	[sflag:s19] =	ssyncadd.s32 $0xFFFFC800  }
0x43: {  	[hbm4b:s29+s3] =	stream.linear.scatter [tilespmem:s15], [sflag:$0x5], $0x3800, $0x38;
	[tilespmem:$0xE800] =	vst v63  }
0x44: {  	_ =	swait.ge [sflag:s13], $0x3800  }
0x45: {  	[sflag:s13] =	ssyncset.done $0x0  }
0x46: {  	[sflag:s13] =	ssyncadd.s32 $0xFFFFC800  }
0x47: {  	_ =	swait.ge [sflag:s20], $0x3800  }
0x48: {  	[sflag:s20] =	ssyncset.done $0x0  }
0x49: {  	s28 =	sadd.s32 s28, s12;
	[sflag:s20] =	ssyncadd.s32 $0xFFFFC800  }
0x4a: {  	[hbm4b:s28+s3] =	stream.linear.scatter [tilespmem:s16], [sflag:$0x5], $0x3800, $0x38;
	[tilespmem:$0xE800] =	vst v63  }
0x4b: {  	_ =	swait.ge [sflag:s13], $0x3800  }
0x4c: {  	[sflag:s13] =	ssyncset.done $0x0  }
0x4d: {  	s30 =	sadd.s32 $0x80, s25;
	[sflag:s13] =	ssyncadd.s32 $0xFFFFC800  }
0x4e: {  	[tilespmem:s15], [sflag:$0x1] =	stream.indirect.gather [hbm4b:s4+s14], $0x80, s30, s14, $0xb8;
	[tilespmem:$0xE800] =	vst v63  }
0x4f: {  	_ = 	snop  }
0x50: {  	[tilespmem:s16], [sflag:$0x3] =	stream.indirect.gather [hbm4b:s1+s14], $0x80, s30, s14, $0xb8;
	[tilespmem:$0xE800] =	vst v63  }
0x51: {  	_ =	swait.ge [sflag:s21], $0x3800  }
0x52: {  	[sflag:s21] =	ssyncset.done $0x0  }
0x53: {  	s29 =	sadd.s32 $0x700, s29;
	[sflag:s21] =	ssyncadd.s32 $0xFFFFC800  }
0x54: {  	[hbm4b:s29+s3] =	stream.linear.scatter [tilespmem:s17], [sflag:$0x5], $0x3800, $0x38;
	[tilespmem:$0xE800] =	vst v63  }
0x55: {  	_ =	swait.ge [sflag:s13], $0x3800  }
0x56: {  	[sflag:s13] =	ssyncset.done $0x0  }
0x57: {  	[sflag:s13] =	ssyncadd.s32 $0xFFFFC800  }
0x58: {  	_ =	swait.ge [sflag:s22], $0x3800  }
.Ltmp0:
0x59: {  	[sflag:s22] =	ssyncset.done $0x0;
	(pc) =	sbr.rel @p0 .LBB2_2-.Ltmp0, $4  }
0x5a: {  	s28 =	sadd.s32 $0x700, s28;
	[sflag:s22] =	ssyncadd.s32 $0xFFFFC800  }
0x5b: {  	[hbm4b:s28+s3] =	stream.linear.scatter [tilespmem:s18], [sflag:$0x5], $0x3800, $0x38;
	[tilespmem:$0xE800] =	vst v63  }
0x5c: {  	_ =	swait.ge [sflag:s13], $0x3800  }
0x5d: {  	[sflag:s13] =	ssyncset.done $0x0  }
0x5e: {  	[sflag:s13] =	ssyncadd.s32 $0xFFFFC800  }
0x5f: {  	[tilespmem:s17], [sflag:$0x2] =	stream.indirect.gather [hbm4b:s4+s14], $0x80, s23, s14, $0xb8;
	[tilespmem:$0xE800] =	vst v63  }
0x60: {  	_ = 	snop  }
0x61: {  	[tilespmem:s18], [sflag:$0x4] =	stream.indirect.gather [hbm4b:s1+s14], $0x80, s23, s14, $0xb8;
	[tilespmem:$0xE800] =	vst v63  }
0x62: {  	_ =	swait.ge [sflag:s19], $0x3800  }
0x63: {  	[sflag:s19] =	ssyncset.done $0x0  }
0x64: {  	[sflag:s19] =	ssyncadd.s32 $0xFFFFC800  }
0x65: {  	[hbm4b:s7+s3] =	stream.linear.scatter [tilespmem:s15], [sflag:$0x5], $0x3800, $0x38;
	[tilespmem:$0xE800] =	vst v63  }
0x66: {  	_ =	swait.ge [sflag:s13], $0x3800  }
0x67: {  	[sflag:s13] =	ssyncset.done $0x0  }
0x68: {  	[sflag:s13] =	ssyncadd.s32 $0xFFFFC800  }
0x69: {  	_ =	swait.ge [sflag:s20], $0x3800  }
0x6a: {  	[sflag:s20] =	ssyncset.done $0x0  }
0x6b: {  	[sflag:s20] =	ssyncadd.s32 $0xFFFFC800  }
0x6c: {  	[hbm4b:s8+s3] =	stream.linear.scatter [tilespmem:s16], [sflag:$0x5], $0x3800, $0x38;
	[tilespmem:$0xE800] =	vst v63  }
0x6d: {  	_ =	swait.ge [sflag:s13], $0x3800  }
0x6e: {  	[sflag:s13] =	ssyncset.done $0x0  }
0x6f: {  	[sflag:s13] =	ssyncadd.s32 $0xFFFFC800  }
0x70: {  	_ =	swait.ge [sflag:s21], $0x3800  }
0x71: {  	[sflag:s21] =	ssyncset.done $0x0  }
0x72: {  	[sflag:s21] =	ssyncadd.s32 $0xFFFFC800  }
0x73: {  	[hbm4b:s9+s3] =	stream.linear.scatter [tilespmem:s17], [sflag:$0x5], $0x3800, $0x38;
	[tilespmem:$0xE800] =	vst v63  }
0x74: {  	_ =	swait.ge [sflag:s13], $0x3800  }
0x75: {  	[sflag:s13] =	ssyncset.done $0x0  }
0x76: {  	[sflag:s13] =	ssyncadd.s32 $0xFFFFC800  }
0x77: {  	s24 =	sadd.s32 $0x1, s24;
	_ =	swait.ge [sflag:s22], $0x3800  }
0x78: {  	p0 =	sne.s32 s24, s6;
	[sflag:s22] =	ssyncset.done $0x0  }
.Ltmp1:
0x79: {  	[sflag:s22] =	ssyncadd.s32 $0xFFFFC800;
	(pc) =	sbr.rel @p0 .LBB2_1-.Ltmp1, $4  }
0x7a: {  	[hbm4b:s10+s3] =	stream.linear.scatter [tilespmem:s18], [sflag:$0x5], $0x3800, $0x38;
	[tilespmem:$0xE800] =	vst v63  }
0x7b: {  	_ =	swait.ge [sflag:s13], $0x3800  }
0x7c: {  	[sflag:s13] =	ssyncset.done $0x0  }
0x7d: {  	[sflag:s13] =	ssyncadd.s32 $0xFFFFC800  }
0x7e: {  	_ =	sfence.sel $0x180000  }
0x7f: {  	[bflag:$0x0] =	sbarrier.arrive $0xFFFF  }
0x80: {  	p0 =	sne.s32 s2, $0x0;
	_ =	strace $0x90000047  }
0x81: {  	s0 =	sadd.s32 @!p0 $0x100000, s0;
	[bflag:$0x2] =	sbarrier.arrive $0xFFFF  }
0x82: {  	[sflag:s0] =	ssyncadd.tile.s32 @!p0 $0x1;
	_ =	shalt  }
.Lfunc_end2:
_tile_overlayer_lowered:
.L_overlay_start_2:
0x83: {  	(tag) =	ssettag $0x2  }
0x84: {  	s0 =	rddreg [dreg:$0x0];
	s2 =	stileid.u32  }
0x85: {  	s1 =	rddreg [dreg:$0x1];
	p0 =	sne.s32 s2, $0x0  }
0x86: {  	s3 =	rddreg [dreg:$0x2];
	[bflag:$0x3] =	sbarrier.arrive $0xFFFF;
	s2 =	simm.s32 @!p0 $0x1C05  }
0x87: {  	[timem:s3], [sflag:s2] =	dma.local @!p0 [hbm:s0], s1  }
0x88: {  	s0 =	simm.s32 @!p0 $0x5  }
0x89: {  	_ =	swait.ge @!p0 [sflag:s0], s1  }
0x8a: {  	s1 =	ssub.s32 @!p0 $0x0, s1;
	[sflag:s0] =	ssyncset.done @!p0 $0x0  }
0x8b: {  	[sflag:s0] =	ssyncadd.s32 @!p0 s1  }
0x8c: {  	[bflag:$0x3] =	sbarrier.arrive $0xFFFF  }
0x8d: {  	_ =	shalt  }

// kernel: sage_sc_stage2.3.cloned.1.call-start
scs
__scs_entry_jumppad:
0x0: {  	(pc) =	sbr.rel $0x88, $3  }
0x1: {  	(tag) =	ssettag $0x0;
	lr =	simm.s32 $0x1  }
0x2: {  	[smem:$0x3F9D] =	sst lr;
	_ =	strace $0xD0000000  }
0x3: {  	_ = 	snop  }
0x4: {  	_ = 	snop  }
0x5: {  	_ = 	snop  }
0x6: {  	_ = 	snop  }
0x7: {  	_ = 	snop  }
__scs_overlays_trampoline_lowered:
0x8: {  	[smem:$0x3FAC] =	sst s0  }
0x9: {  	[smem:$0x3FAD] =	sst s1  }
0xa: {  	[smem:$0x3FAE] =	sst s2  }
0xb: {  	[smem:$0x3FAF] =	sst s3  }
0xc: {  	[smem:$0x3FB0] =	sst s4  }
0xd: {  	[smem:$0x3FB1] =	sst s5  }
0xe: {  	[smem:$0x3FB2] =	sst s6  }
0xf: {  	[smem:$0x3FB3] =	sst s7  }
0x10: {  	[smem:$0x3FB4] =	sst s8  }
0x11: {  	[smem:$0x3FB5] =	sst s9;
	s0 =	simm.s32 @!p0 $0x0  }
0x12: {  	s1 =	sld [smem:$0x3F9B];
	s0 =	simm.s32 @p0 $0x1  }
0x13: {  	[smem:$0x3FB6] =	sst s0;
	s0 =	simm.s32 @!p1 $0x0  }
0x14: {  	s2 =	sld [smem:$0x3F9A];
	s0 =	simm.s32 @p1 $0x1  }
0x15: {  	[smem:$0x3FB7] =	sst s0;
	s0 =	simm.s32 @!p2 $0x0  }
0x16: {  	s3 =	sld [smem:$0x3FDB];
	s0 =	simm.s32 @p2 $0x1  }
0x17: {  	s4 =	simm.s32 $0x1BF5;
	[smem:$0x3FB9] =	sst s0  }
0x18: {  	s0 =	sld [smem:$0x3F9C];
	_ =	swait.ge [sflag:s4], $0x0  }
0x19: {  	s7 =	sld [smem:$0x3F9D]  }
0x1a: {  	s8 =	sadd.s32 $0xFFFFE003, lr  }
0x1b: {  	s9 =	sadd.s32 $0xFFFFFEF7, lr;
	s5 =	simm.s32 $0xFFFFFFFF;
	p2 =	slt.u32 s8, $0xFFFFF086  }
0x1c: {  	p1 =	slt.u32 s9, $0xF7A;
	s5 =	simm.s32 @!p2 $0x0  }
0x1d: {  	s5 =	simm.s32 @p1 $0x1;
	p0 =	seq.s32 s7, s2  }
0x1e: {  	s7 =	smul.u32 @!p0 $0xF7A, s2;
	p2 =	seq.s32 @!p0 s5, $0x0  }
0x1f: {  	s9 =	smul.u32 $0xF7A, s1;
	s8 =	simm.s32 @!p0 $0x1BF5;
	p2 =	por !p2, p0  }
0x20: {  	[sflag:s8] =	ssyncset.s32 @!p0 $0xFFFFF086;
	s6 =	sadd.s32 @!p0 s3, s7;
	s7 =	simm.s32 @!p0 $0x108  }
0x21: {  	s3 =	sadd.s32 s3, s9;
	s6 =	sadd.s32 @!p0 $0x88, s6;
	s7 =	simm.s32 @p2 $0x1082  }
0x22: {  	[simem:s7], [sflag:s8] =	dma.local @!p0 [hbm:s6], $0xF7A  }
0x23: {  	s9 =	sor.u32 $0xD0000000, s2;
	s6 =	simm.s32 $0x108;
	_ =	swait.ge @!p0 [sflag:s8], $0x0  }
0x24: {  	s3 =	sadd.s32 $0x88, s3;
	s6 =	simm.s32 @!p1 $0x1082;
	[sflag:s4] =	ssyncset.s32 $0xFFFFF086  }
0x25: {  	[simem:s6], [sflag:s4] =	dma.local [hbm:s3], $0xF7A  }
0x26: {  	[smem:$0x3F9D] =	sst s1;
	(tag) =	ssettag s2;
	_ =	strace s9  }
0x27: {  	s1 =	sld [smem:$0x3FAD]  }
0x28: {  	s2 =	sld [smem:$0x3FAE]  }
0x29: {  	s4 =	sld [smem:$0x3FB0]  }
0x2a: {  	p0 =	seq.s32 s5, $0x0;
	s5 =	sld [smem:$0x3FB1]  }
0x2b: {  	s6 =	sld [smem:$0x3FB2]  }
0x2c: {  	s7 =	sld [smem:$0x3FB3]  }
0x2d: {  	s3 =	simm.s32 $0x108;
	s8 =	sld [smem:$0x3FB4]  }
0x2e: {  	s3 =	simm.s32 @!p0 $0x1082;
	s9 =	sld [smem:$0x3FB5]  }
0x2f: {  	lr =	sadd.s32 s0, s3;
	s0 =	sld [smem:$0x3FAC]  }
0x30: {  	s3 =	sld [smem:$0x3FAF]  }
0x31: {  	[smem:$0x3FB8] =	sst s10  }
0x32: {  	s10 =	sld [smem:$0x3FB6];
	_ =	sdelay $0x3  }
0x33: {  	p0 =	seq.s32 s10, $0x1;
	s10 =	sld [smem:$0x3FB8];
	_ =	sdelay $0x3  }
0x34: {  	[smem:$0x3FB8] =	sst s10  }
0x35: {  	s10 =	sld [smem:$0x3FB7];
	_ =	sdelay $0x3  }
0x36: {  	p1 =	seq.s32 s10, $0x1;
	s10 =	sld [smem:$0x3FB8];
	_ =	sdelay $0x3  }
0x37: {  	[smem:$0x3FB8] =	sst s10  }
0x38: {  	s10 =	sld [smem:$0x3FB9]  }
0x39: {  	_ = 	snop;
	(pc) =	sbr.ind lr, $3  }
0x3a: {  	_ = 	snop  }
0x3b: {  	_ = 	snop  }
0x3c: {  	p2 =	seq.s32 s10, $0x1;
	s10 =	sld [smem:$0x3FB8]  }
0x3d: {  	_ =	shalt  }
0x3e: {  	_ =	shalt  }
0x3f: {  	_ =	shalt  }
0x40: {  	_ =	shalt  }
0x41: {  	_ =	shalt  }
0x42: {  	_ =	shalt  }
0x43: {  	_ =	shalt  }
0x44: {  	_ =	shalt  }
0x45: {  	_ =	shalt  }
0x46: {  	_ =	shalt  }
0x47: {  	_ =	shalt  }
0x48: {  	_ =	shalt  }
0x49: {  	_ =	shalt  }
0x4a: {  	_ =	shalt  }
0x4b: {  	_ =	shalt  }
0x4c: {  	_ =	shalt  }
0x4d: {  	_ =	shalt  }
0x4e: {  	_ =	shalt  }
0x4f: {  	_ =	shalt  }
0x50: {  	_ =	shalt  }
0x51: {  	_ =	shalt  }
0x52: {  	_ =	shalt  }
0x53: {  	_ =	shalt  }
0x54: {  	_ =	shalt  }
0x55: {  	_ =	shalt  }
0x56: {  	_ =	shalt  }
0x57: {  	_ =	shalt  }
0x58: {  	_ =	shalt  }
0x59: {  	_ =	shalt  }
0x5a: {  	_ =	shalt  }
0x5b: {  	_ =	shalt  }
0x5c: {  	_ =	shalt  }
0x5d: {  	_ =	shalt  }
0x5e: {  	_ =	shalt  }
0x5f: {  	_ =	shalt  }
0x60: {  	_ =	shalt  }
0x61: {  	_ =	shalt  }
0x62: {  	_ =	shalt  }
0x63: {  	_ =	shalt  }
0x64: {  	_ =	shalt  }
0x65: {  	_ =	shalt  }
0x66: {  	_ =	shalt  }
0x67: {  	_ =	shalt  }
0x68: {  	_ =	shalt  }
0x69: {  	_ =	shalt  }
0x6a: {  	_ =	shalt  }
0x6b: {  	_ =	shalt  }
0x6c: {  	_ =	shalt  }
0x6d: {  	_ =	shalt  }
0x6e: {  	_ =	shalt  }
0x6f: {  	_ =	shalt  }
0x70: {  	_ =	shalt  }
0x71: {  	_ =	shalt  }
0x72: {  	_ =	shalt  }
0x73: {  	_ =	shalt  }
0x74: {  	_ =	shalt  }
0x75: {  	_ =	shalt  }
0x76: {  	_ =	shalt  }
0x77: {  	_ =	shalt  }
0x78: {  	_ =	shalt  }
0x79: {  	_ =	shalt  }
0x7a: {  	_ =	shalt  }
0x7b: {  	_ =	shalt  }
0x7c: {  	_ =	shalt  }
0x7d: {  	_ =	shalt  }
0x7e: {  	_ =	shalt  }
0x7f: {  	_ =	shalt  }
0x80: {  	_ =	shalt  }
0x81: {  	_ =	shalt  }
0x82: {  	_ =	shalt  }
0x83: {  	_ =	shalt  }
0x84: {  	_ =	shalt  }
0x85: {  	_ =	shalt  }
0x86: {  	_ =	shalt  }
0x87: {  	_ =	shalt  }
.Lfunc_end0:
.L_simem_size_0:
called_computation.1_lowered:
.L_overlay_start_0:
0x88: {  	s2 =	sld [smem:$0x3FD9]  }
0x89: {  	s3 =	sld [smem:$0x3FFE];
	_ =	sdelay $0x1  }
0x8a: {  	s1 =	srdreg.scid  }
0x8b: {  	s0 =	sand.u32 $0x1, s1  }
0x8c: {  	s17 =	sshll.u32 s0, $0xA;
	s2 =	sadd.s32 s3, s2  }
0x8d: {  	s2 =	sadd.s32 s2, s17  }
0x8e: {  	[smem:$0x3FC4] =	sst s2  }
0x8f: {  	_ = 	snop  }
0x90: {  	s2 =	sld [smem:$0x3FC9]  }
0x91: {  	s18 =	sld [smem:$0x3FD0];
	(tm) =	ssettm $0x1  }
0x92: {  	s4 =	sld [smem:$0x3FFB];
	_ =	sdelay $0x3  }
0x93: {  	_ =	strace s4  }
0x94: {  	s4 =	sld [smem:$0x3FFC];
	_ =	sdelay $0x3  }
0x95: {  	_ =	strace s4  }
0x96: {  	s4 =	sld [smem:$0x3FFD];
	_ =	sdelay $0x3  }
0x97: {  	_ =	strace s4  }
0x98: {  	_ =	strace $0x8FFFFFFF  }
0x99: {  	s19 =	sld [smem:$0x3FDB];
	_ =	sdelay $0x1  }
0x9a: {  	s5 =	simm.s32 $_scs_section_size  }
0x9b: {  	s6 =	simm.s32 $_size__tile_overlayer_lowered;
	s7 =	simm.s32 $_tile_overlayer_lowered  }
0x9c: {  	s22 =	simm.s32 $0x1BFF;
	s21 =	sshll.u32 s7, $0x1;
	s4 =	sadd.s32 s5, s19  }
0x9d: {  	s8 =	simm.s32 $0x0;
	s20 =	sshll.u32 s6, $0x1;
	s6 =	sadd.s32 s21, s4  }
0x9e: {  	[timem:s8], [sflag:s22] =	dma.local [hbm:s6], s20  }
0x9f: {  	_ =	swait.ge [sflag:s22], s20  }
0xa0: {  	s5 =	ssub.s32 $0x0, s20;
	[sflag:s22] =	ssyncset.done $0x0  }
0xa1: {  	[sflag:s22] =	ssyncadd.s32 s5;
	_ =	sdelay $0x1  }
0xa2: {  	s23 =	simm.s32 $0x1B8B  }
0xa3: {  	_ =	swait.ge [sflag:s23], $0x1  }
0xa4: {  	[sflag:s23] =	ssyncset.done $0x0  }
0xa5: {  	s25 =	simm.s32 $0x1B8E;
	s24 =	sld [smem:$0x3FFE];
	[sflag:s23] =	ssyncadd.s32 $0xFFFFFFFF  }
0xa6: {  	s26 =	simm.s32 $execute0_lowered;
	[smem:$0x3FD2] =	sst s25  }
0xa7: {  	s6 =	sshll.u32 s26, $0x1;
	_ =	strace $0x80000049;
	[dreg:$0x1] =	wrdreg $0xFFFFFFFF  }
0xa8: {  	s28 =	simm.s32 $_size_execute0_lowered;
	s4 =	sadd.s32 s4, s6;
	[dreg:$0x0] =	wrdreg $0x0  }
0xa9: {  	s6 =	sshll.u32 s28, $0x1;
	[dreg:$0x2] =	wrdreg s4  }
0xaa: {  	[dreg:$0x3] =	wrdreg s6  }
0xab: {  	[dreg:$0x4] =	wrdreg $0xC0  }
0xac: {  	_ =	task [dreg:s8], $0x5FFFF  }
0xad: {  	[dreg:$0x1] =	wrdreg $0xFFFFFFFF  }
0xae: {  	[dreg:$0x0] =	wrdreg $0x60  }
0xaf: {  	[dreg:$0x2] =	wrdreg s2  }
0xb0: {  	[dreg:$0x3] =	wrdreg s18  }
0xb1: {  	[dreg:$0x4] =	wrdreg s24  }
0xb2: {  	[dreg:$0x5] =	wrdreg $0x9  }
0xb3: {  	_ =	task.clear_ibuf [dreg:s8], $0x6FFFF;
	_ =	strace $0x90000049  }
0xb4: {  	s29 =	simm.s32 $0x9;
	_ =	strace $0x8000004B  }
0xb5: {  	_ =	swait.ge [sflag:s29], $0x1  }
0xb6: {  	[sflag:s29] =	ssyncadd.s32 $0xFFFFFFFF  }
0xb7: {  	_ =	strace $0x9000004B  }
0xb8: {  	_ =	sfence  }
0xb9: {  	s30 =	sld [smem:$0x0];
	_ =	sdelay $0x2  }
0xba: {  	s31 =	sshll.u32 s1, $0xD;
	s1 =	sshrl.u32 s1, $0x2  }
0xbb: {  	s3 =	sand.u32 $0x4000, s31;
	s1 =	sadd.s32 s1, s30  }
0xbc: {  	s0 =	sor.u32 s3, s0;
	s1 =	sshll.u32 s1, $0x11  }
0xbd: {  	s0 =	sor.u32 s1, s0  }
0xbe: {  	s0 =	sadd.s32 $0x8F2B, s0  }
0xbf: {  	[sflag:s0] =	ssyncadd.remote.s32 $0x1  }
0xc0: {  	_ =	sfence.sel $0xFFFF  }
0xc1: {  	[dreg:$0x0] =	wrdreg $0xFFFFFFFF;
	(pc) =	sbr.abs _section_cstart, $3  }
0xc2: {  	[dreg:$0x1] =	wrdreg $0xFFFFFFFF  }
0xc3: {  	_ =	task.clear_ibuf [dreg:s8], $0x2FFFF;
	_ =	strace $0x9FFFFFFF  }
0xc4: {  	(tm) =	ssettm $0x7FFFFFFF  }
0xc5: {  	_ =	shalt  }
tec
execute0_lowered:
.L_overlay_start_1:
0x0: {  	(tag) =	ssettag $0x1  }
0x1: {  	s1 =	rddreg [dreg:$0x0]  }
0x2: {  	s0 =	rddreg [dreg:$0x1]  }
0x3: {  	s2 =	rddreg [dreg:$0x2]  }
0x4: {  	s3 =	simm.s32 $0x0;
	s4 =	srdreg.scid;
	s5 =	stileid.u32  }
0x5: {  	s17 =	simm.s32 $0x800;
	s18 =	simm.s32 $0x1000;
	s19 =	simm.s32 $0x1800  }
0x6: {  	s20 =	simm.s32 $0x2000;
	s21 =	simm.s32 $0x2800;
	s28 =	simm.s32 $0x70  }
0x7: {  	s29 =	simm.s32 $0x5000;
	s30 =	simm.s32 $0x8800;
	s31 =	simm.s32 $0x2  }
0x8: {  	[smem:$0x7FF] =	sst s3;
	s4 =	sand.u32 $0x1, s4;
	s5 =	sshll.u32 s5, $0x1  }
0x9: {  	_ =	strace $0x8000004A;
	s6 =	ssub.s32 $0x2, s4;
	s5 =	sor.u32 s4, s5  }
0xa: {  	s4 =	sadd.s32 $0x1200, s2;
	s22 =	sshrl.u32 s6, $0x1;
	s7 =	sshll.u32 s5, $0x8  }
0xb: {  	s5 =	smul.u32 $0x620, s5;
	s2 =	ssub.s32 s6, s22;
	s6 =	sadd.s32 s0, s7  }
0xc: {  	s22 =	simm.s32 $0x3000;
	s7 =	simm.s32 $0x0;
	s0 =	sadd.s32 $0x2000, s6  }
0xd: {  	s23 =	sadd.s32 $0x4000, s6;
	s24 =	sadd.s32 $0x6000, s6;
	s25 =	sadd.s32 $0x8000, s6  }
0xe: {  	s26 =	sadd.s32 $0xA000, s6;
	s12 =	sadd.s32 $0xC000, s6;
	[dreg:$0x4] =	wrdreg s0  }
.Ltmp0:
0xf: {  	s13 =	sadd.s32 $0xE000, s6;
	[dreg:$0x5] =	wrdreg s23;
	(pc) =	sbr.rel .LBB2_1-.Ltmp0, $4  }
0x10: {  	s14 =	sadd.s32 $0x10000, s6;
	s15 =	sadd.s32 $0x12000, s6;
	[dreg:$0x6] =	wrdreg s24  }
0x11: {  	s16 =	smax.u32 s2, $0x1;
	s2 =	simm.s32 $0x3;
	[dreg:$0x7] =	wrdreg s25  }
0x12: {  	[dreg:$0x8] =	wrdreg s26;
	s23 =	simm.s32 $0x3800;
	s24 =	simm.s32 $0x4000  }
0x13: {  	v0 =	vimm.f32 $0.0e+00;
	s25 =	simm.s32 $0x4800;
	s26 =	simm.s32 $0x1;
	s0 =	simm.s32 $0x4  }
.LBB2_11:
0x14: {  	s7 =	sadd.s32 $0x1, s7  }
0x15: {  	p0 =	sne.s32 s7, s16  }
.Ltmp1:
0x16: {  	_ = 	snop;
	(pc) =	sbr.rel @!p0 .LBB2_12-.Ltmp1, $1  }
0x17: {  	_ =	sdelay $0x3  }
.LBB2_1:
0x18: {  	[tilespmem:s3], [sflag:$0x1] =	stream.linear.gather [hbm4b:s6+s3], $0x700, $0x38;
	[tilespmem:$0xC000] =	vst v63  }
0x19: {  	s8 =	rddreg [dreg:$0x4]  }
0x1a: {  	[tilespmem:s17], [sflag:$0x1] =	stream.linear.gather [hbm4b:s8+s3], $0x700, $0x38;
	[tilespmem:$0xC000] =	vst v63  }
0x1b: {  	s11 =	rddreg [dreg:$0x5]  }
0x1c: {  	[tilespmem:s18], [sflag:$0x1] =	stream.linear.gather [hbm4b:s11+s3], $0x700, $0x38;
	[tilespmem:$0xC000] =	vst v63  }
0x1d: {  	s9 =	rddreg [dreg:$0x6]  }
0x1e: {  	[tilespmem:s19], [sflag:$0x1] =	stream.linear.gather [hbm4b:s9+s3], $0x700, $0x38;
	[tilespmem:$0xC000] =	vst v63  }
0x1f: {  	s10 =	rddreg [dreg:$0x7]  }
0x20: {  	[tilespmem:s20], [sflag:$0x1] =	stream.linear.gather [hbm4b:s10+s3], $0x700, $0x38;
	[tilespmem:$0xC000] =	vst v63  }
0x21: {  	s11 =	rddreg [dreg:$0x8]  }
0x22: {  	[tilespmem:s21], [sflag:$0x1] =	stream.linear.gather [hbm4b:s11+s3], $0x700, $0x38;
	[tilespmem:$0xC000] =	vst v63  }
0x23: {  	_ = 	snop  }
0x24: {  	[tilespmem:s22], [sflag:$0x1] =	stream.linear.gather [hbm4b:s12+s3], $0x700, $0x38;
	[tilespmem:$0xC000] =	vst v63  }
0x25: {  	_ = 	snop  }
0x26: {  	[tilespmem:s23], [sflag:$0x1] =	stream.linear.gather [hbm4b:s13+s3], $0x700, $0x38;
	[tilespmem:$0xC000] =	vst v63  }
0x27: {  	_ = 	snop  }
0x28: {  	[tilespmem:s24], [sflag:$0x1] =	stream.linear.gather [hbm4b:s14+s3], $0x700, $0x38;
	[tilespmem:$0xC000] =	vst v63  }
0x29: {  	_ = 	snop  }
0x2a: {  	[tilespmem:s25], [sflag:$0x1] =	stream.linear.gather [hbm4b:s15+s3], $0x700, $0x38;
	[tilespmem:$0xC000] =	vst v63  }
0x2b: {  	_ =	swait.ge [sflag:s26], $0x700  }
0x2c: {  	[sflag:s26] =	ssyncset.done $0x0  }
0x2d: {  	[sflag:s26] =	ssyncadd.s32 $0xFFFFF900  }
0x2e: {  	_ =	swait.ge [sflag:s26], $0x700  }
0x2f: {  	[sflag:s26] =	ssyncset.done $0x0  }
0x30: {  	[sflag:s26] =	ssyncadd.s32 $0xFFFFF900  }
0x31: {  	_ =	swait.ge [sflag:s26], $0x700  }
0x32: {  	[sflag:s26] =	ssyncset.done $0x0  }
0x33: {  	[sflag:s26] =	ssyncadd.s32 $0xFFFFF900  }
0x34: {  	_ =	swait.ge [sflag:s26], $0x700  }
0x35: {  	[sflag:s26] =	ssyncset.done $0x0  }
0x36: {  	[sflag:s26] =	ssyncadd.s32 $0xFFFFF900  }
0x37: {  	_ =	swait.ge [sflag:s26], $0x700  }
0x38: {  	[sflag:s26] =	ssyncset.done $0x0  }
0x39: {  	[sflag:s26] =	ssyncadd.s32 $0xFFFFF900  }
0x3a: {  	_ =	swait.ge [sflag:s26], $0x700  }
0x3b: {  	[sflag:s26] =	ssyncset.done $0x0  }
0x3c: {  	[sflag:s26] =	ssyncadd.s32 $0xFFFFF900  }
0x3d: {  	_ =	swait.ge [sflag:s26], $0x700  }
0x3e: {  	[sflag:s26] =	ssyncset.done $0x0  }
0x3f: {  	[sflag:s26] =	ssyncadd.s32 $0xFFFFF900  }
0x40: {  	_ =	swait.ge [sflag:s26], $0x700  }
0x41: {  	[sflag:s26] =	ssyncset.done $0x0  }
0x42: {  	[sflag:s26] =	ssyncadd.s32 $0xFFFFF900  }
0x43: {  	_ =	swait.ge [sflag:s26], $0x700  }
0x44: {  	[sflag:s26] =	ssyncset.done $0x0  }
0x45: {  	[sflag:s26] =	ssyncadd.s32 $0xFFFFF900  }
0x46: {  	_ =	swait.ge [sflag:s26], $0x700  }
0x47: {  	[sflag:s26] =	ssyncset.done $0x0  }
0x48: {  	s8 =	simm.s32 $0x0;
	s9 =	simm.s32 $0x200;
	[sflag:s26] =	ssyncadd.s32 $0xFFFFF900  }
.LBB2_2:
0x49: {  	p0 =	sne.s32 s9, $0xDE00;
	[tilespmem:s8+$0x5070] =	vst v0  }
0x4a: {  	[tilespmem:s8+$0x5000] =	vst v0  }
0x4b: {  	[tilespmem:s8+$0x5010] =	vst v0  }
.Ltmp2:
0x4c: {  	[tilespmem:s8+$0x5020] =	vst v0;
	(pc) =	sbr.rel @p0 .LBB2_2-.Ltmp2, $4  }
0x4d: {  	[tilespmem:s8+$0x5030] =	vst v0  }
0x4e: {  	[tilespmem:s8+$0x5040] =	vst v0  }
0x4f: {  	[tilespmem:s8+$0x5050] =	vst v0  }
0x50: {  	[tilespmem:s8+$0x5060] =	vst v0;
	s8 =	sshra.s32 s9, $0x2;
	s9 =	sadd.s32 $0x200, s9  }
0x51: {  	[tilespmem:s8+$0x5070] =	vst v0  }
0x52: {  	[tilespmem:s8+$0x5000] =	vst v0  }
0x53: {  	[tilespmem:s8+$0x5010] =	vst v0  }
0x54: {  	[tilespmem:s8+$0x5020] =	vst v0  }
0x55: {  	[tilespmem:s8+$0x5030] =	vst v0  }
0x56: {  	[tilespmem:s8+$0x5040] =	vst v0  }
0x57: {  	[tilespmem:s8+$0x5050] =	vst v0  }
0x58: {  	[tilespmem:s8+$0x5060] =	vst v0;
	s8 =	simm.s32 $0x0  }
0x59: {  	[tilespmem:s29], [sflag:$0x2] =	stream.indirect.gather.add.f32 [hbm:s1], $0x80, s8, s28, $0xb8;
	[tilespmem:$0xC000] =	vst v63  }
0x5a: {  	_ = 	snop  }
0x5b: {  	[tilespmem:s29], [sflag:$0x2] =	stream.indirect.gather.add.f32 [hbm:s1], $0x80, s17, s28, $0xb8;
	[tilespmem:$0xC000] =	vst v63  }
0x5c: {  	_ = 	snop  }
0x5d: {  	[tilespmem:s29], [sflag:$0x2] =	stream.indirect.gather.add.f32 [hbm:s1], $0x80, s18, s28, $0xb8;
	[tilespmem:$0xC000] =	vst v63  }
0x5e: {  	_ = 	snop  }
0x5f: {  	[tilespmem:s29], [sflag:$0x2] =	stream.indirect.gather.add.f32 [hbm:s1], $0x80, s19, s28, $0xb8;
	[tilespmem:$0xC000] =	vst v63  }
0x60: {  	_ = 	snop  }
0x61: {  	[tilespmem:s29], [sflag:$0x2] =	stream.indirect.gather.add.f32 [hbm:s1], $0x80, s20, s28, $0xb8;
	[tilespmem:$0xC000] =	vst v63  }
0x62: {  	_ = 	snop  }
0x63: {  	[tilespmem:s29], [sflag:$0x2] =	stream.indirect.gather.add.f32 [hbm:s1], $0x80, s21, s28, $0xb8;
	[tilespmem:$0xC000] =	vst v63  }
0x64: {  	_ = 	snop  }
0x65: {  	[tilespmem:s29], [sflag:$0x2] =	stream.indirect.gather.add.f32 [hbm:s1], $0x80, s22, s28, $0xb8;
	[tilespmem:$0xC000] =	vst v63  }
0x66: {  	_ = 	snop  }
0x67: {  	[tilespmem:s29], [sflag:$0x2] =	stream.indirect.gather.add.f32 [hbm:s1], $0x80, s23, s28, $0xb8;
	[tilespmem:$0xC000] =	vst v63  }
.Ltmp3:
0x68: {  	_ = 	snop;
	(pc) =	sbr.rel .LBB2_4-.Ltmp3, $4  }
0x69: {  	_ = 	snop  }
0x6a: {  	[tilespmem:s29], [sflag:$0x2] =	stream.indirect.gather.add.f32 [hbm:s1], $0x80, s24, s28, $0xb8;
	[tilespmem:$0xC000] =	vst v63  }
0x6b: {  	_ = 	snop  }
0x6c: {  	[tilespmem:s29], [sflag:$0x2] =	stream.indirect.gather.add.f32 [hbm:s1], $0x80, s25, s28, $0xb8;
	[tilespmem:$0xC000] =	vst v63  }
.LBB2_10:
0x6d: {  	_ =	swait.ge [sflag:s2], $0x3800  }
0x6e: {  	[sflag:s2] =	ssyncset.done $0x0  }
0x6f: {  	[sflag:s2] =	ssyncadd.s32 $0xFFFFC800  }
0x70: {  	_ =	swait.ge [sflag:s2], $0x3800  }
0x71: {  	[sflag:s2] =	ssyncset.done $0x0  }
0x72: {  	[sflag:s2] =	ssyncadd.s32 $0xFFFFC800  }
0x73: {  	_ =	swait.ge [sflag:s2], $0x3800  }
0x74: {  	[sflag:s2] =	ssyncset.done $0x0  }
0x75: {  	[sflag:s2] =	ssyncadd.s32 $0xFFFFC800  }
0x76: {  	_ =	swait.ge [sflag:s2], $0x3800  }
0x77: {  	[sflag:s2] =	ssyncset.done $0x0  }
0x78: {  	[sflag:s2] =	ssyncadd.s32 $0xFFFFC800  }
0x79: {  	_ =	swait.ge [sflag:s2], $0x3800  }
0x7a: {  	[sflag:s2] =	ssyncset.done $0x0  }
0x7b: {  	[sflag:s2] =	ssyncadd.s32 $0xFFFFC800  }
0x7c: {  	_ =	swait.ge [sflag:s2], $0x3800  }
0x7d: {  	[sflag:s2] =	ssyncset.done $0x0  }
0x7e: {  	[sflag:s2] =	ssyncadd.s32 $0xFFFFC800  }
0x7f: {  	_ =	swait.ge [sflag:s2], $0x3800  }
0x80: {  	[sflag:s2] =	ssyncset.done $0x0  }
0x81: {  	[sflag:s2] =	ssyncadd.s32 $0xFFFFC800  }
0x82: {  	_ =	swait.ge [sflag:s2], $0x3800  }
0x83: {  	[sflag:s2] =	ssyncset.done $0x0  }
0x84: {  	[sflag:s2] =	ssyncadd.s32 $0xFFFFC800  }
0x85: {  	_ =	swait.ge [sflag:s2], $0x3800  }
0x86: {  	s9 =	smul.u32 $0x70, s9;
	[sflag:s2] =	ssyncset.done $0x0  }
0x87: {  	[sflag:s2] =	ssyncadd.s32 $0xFFFFC800  }
0x88: {  	s8 =	sadd.s32 $0x1, s8;
	s9 =	sadd.s32 s5, s9;
	_ =	swait.ge [sflag:s2], $0x3800  }
0x89: {  	p0 =	sne.s32 s8, $0x7;
	s9 =	sshll.u32 s9, $0x4;
	[sflag:s2] =	ssyncset.done $0x0  }
.Ltmp4:
0x8a: {  	s9 =	sadd.s32 s4, s9;
	[sflag:s2] =	ssyncadd.s32 $0xFFFFC800;
	(pc) =	sbr.rel @!p0 .LBB2_11-.Ltmp4, $4  }
0x8b: {  	[hbm4b:s9+s3] =	stream.linear.scatter [tilespmem:s30], [sflag:$0x4], $0x3800, $0x38;
	[tilespmem:$0xC000] =	vst v63  }
0x8c: {  	_ =	swait.ge [sflag:s0], $0x3800  }
0x8d: {  	[sflag:s0] =	ssyncset.done $0x0  }
0x8e: {  	[sflag:s0] =	ssyncadd.s32 $0xFFFFC800  }
.LBB2_4:
0x8f: {  	s10 =	simm.s32 $0x0;
	s9 =	simm.s32 $0x200  }
.LBB2_5:
0x90: {  	p0 =	sne.s32 s9, $0xDE00;
	[tilespmem:s10+$0x8870] =	vst v0  }
0x91: {  	[tilespmem:s10+$0x8800] =	vst v0  }
0x92: {  	[tilespmem:s10+$0x8810] =	vst v0  }
.Ltmp5:
0x93: {  	[tilespmem:s10+$0x8820] =	vst v0;
	(pc) =	sbr.rel @p0 .LBB2_5-.Ltmp5, $4  }
0x94: {  	[tilespmem:s10+$0x8830] =	vst v0  }
0x95: {  	[tilespmem:s10+$0x8840] =	vst v0  }
0x96: {  	[tilespmem:s10+$0x8850] =	vst v0  }
0x97: {  	[tilespmem:s10+$0x8860] =	vst v0;
	s10 =	sshra.s32 s9, $0x2;
	s9 =	sadd.s32 $0x200, s9  }
0x98: {  	[tilespmem:s10+$0x8870] =	vst v0  }
0x99: {  	[tilespmem:s10+$0x8800] =	vst v0  }
0x9a: {  	[tilespmem:s10+$0x8810] =	vst v0  }
0x9b: {  	[tilespmem:s10+$0x8820] =	vst v0  }
0x9c: {  	[tilespmem:s10+$0x8830] =	vst v0  }
0x9d: {  	[tilespmem:s10+$0x8840] =	vst v0;
	s9 =	sshllo.u32 s8, $0x1  }
0x9e: {  	[tilespmem:s10+$0x8850] =	vst v0;
	s11 =	sshll.u32 s9, $0x7  }
0x9f: {  	[tilespmem:s10+$0x8860] =	vst v0;
	s10 =	sand.u32 $0x3FFFFF80, s11  }
0xa0: {  	[tilespmem:s30], [sflag:$0x3] =	stream.indirect.gather.add.f32 [hbm:s1], $0x80, s10, s28, $0xb8;
	[tilespmem:$0xC000] =	vst v63  }
0xa1: {  	s11 =	sadd.s32 $0x800, s10  }
0xa2: {  	[tilespmem:s30], [sflag:$0x3] =	stream.indirect.gather.add.f32 [hbm:s1], $0x80, s11, s28, $0xb8;
	[tilespmem:$0xC000] =	vst v63  }
0xa3: {  	s11 =	sadd.s32 $0x1000, s10  }
0xa4: {  	[tilespmem:s30], [sflag:$0x3] =	stream.indirect.gather.add.f32 [hbm:s1], $0x80, s11, s28, $0xb8;
	[tilespmem:$0xC000] =	vst v63  }
0xa5: {  	s11 =	sadd.s32 $0x1800, s10  }
0xa6: {  	[tilespmem:s30], [sflag:$0x3] =	stream.indirect.gather.add.f32 [hbm:s1], $0x80, s11, s28, $0xb8;
	[tilespmem:$0xC000] =	vst v63  }
0xa7: {  	s11 =	sadd.s32 $0x2000, s10  }
0xa8: {  	[tilespmem:s30], [sflag:$0x3] =	stream.indirect.gather.add.f32 [hbm:s1], $0x80, s11, s28, $0xb8;
	[tilespmem:$0xC000] =	vst v63  }
0xa9: {  	s11 =	sadd.s32 $0x2800, s10  }
0xaa: {  	[tilespmem:s30], [sflag:$0x3] =	stream.indirect.gather.add.f32 [hbm:s1], $0x80, s11, s28, $0xb8;
	[tilespmem:$0xC000] =	vst v63  }
0xab: {  	s11 =	sadd.s32 $0x3000, s10  }
0xac: {  	[tilespmem:s30], [sflag:$0x3] =	stream.indirect.gather.add.f32 [hbm:s1], $0x80, s11, s28, $0xb8;
	[tilespmem:$0xC000] =	vst v63  }
0xad: {  	s11 =	sadd.s32 $0x3800, s10  }
0xae: {  	[tilespmem:s30], [sflag:$0x3] =	stream.indirect.gather.add.f32 [hbm:s1], $0x80, s11, s28, $0xb8;
	[tilespmem:$0xC000] =	vst v63  }
0xaf: {  	s11 =	sadd.s32 $0x4000, s10  }
0xb0: {  	[tilespmem:s30], [sflag:$0x3] =	stream.indirect.gather.add.f32 [hbm:s1], $0x80, s11, s28, $0xb8;
	[tilespmem:$0xC000] =	vst v63  }
0xb1: {  	s10 =	sadd.s32 $0x4800, s10  }
0xb2: {  	[tilespmem:s30], [sflag:$0x3] =	stream.indirect.gather.add.f32 [hbm:s1], $0x80, s10, s28, $0xb8;
	[tilespmem:$0xC000] =	vst v63  }
0xb3: {  	_ =	swait.ge [sflag:s31], $0x3800  }
0xb4: {  	[sflag:s31] =	ssyncset.done $0x0  }
0xb5: {  	[sflag:s31] =	ssyncadd.s32 $0xFFFFC800  }
0xb6: {  	_ =	swait.ge [sflag:s31], $0x3800  }
0xb7: {  	[sflag:s31] =	ssyncset.done $0x0  }
0xb8: {  	[sflag:s31] =	ssyncadd.s32 $0xFFFFC800  }
0xb9: {  	_ =	swait.ge [sflag:s31], $0x3800  }
0xba: {  	[sflag:s31] =	ssyncset.done $0x0  }
0xbb: {  	[sflag:s31] =	ssyncadd.s32 $0xFFFFC800  }
0xbc: {  	_ =	swait.ge [sflag:s31], $0x3800  }
0xbd: {  	[sflag:s31] =	ssyncset.done $0x0  }
0xbe: {  	[sflag:s31] =	ssyncadd.s32 $0xFFFFC800  }
0xbf: {  	_ =	swait.ge [sflag:s31], $0x3800  }
0xc0: {  	[sflag:s31] =	ssyncset.done $0x0  }
0xc1: {  	[sflag:s31] =	ssyncadd.s32 $0xFFFFC800  }
0xc2: {  	_ =	swait.ge [sflag:s31], $0x3800  }
0xc3: {  	[sflag:s31] =	ssyncset.done $0x0  }
0xc4: {  	[sflag:s31] =	ssyncadd.s32 $0xFFFFC800  }
0xc5: {  	_ =	swait.ge [sflag:s31], $0x3800  }
0xc6: {  	[sflag:s31] =	ssyncset.done $0x0  }
0xc7: {  	[sflag:s31] =	ssyncadd.s32 $0xFFFFC800  }
0xc8: {  	_ =	swait.ge [sflag:s31], $0x3800  }
0xc9: {  	[sflag:s31] =	ssyncset.done $0x0  }
0xca: {  	[sflag:s31] =	ssyncadd.s32 $0xFFFFC800  }
0xcb: {  	_ =	swait.ge [sflag:s31], $0x3800  }
0xcc: {  	s11 =	smul.u32 $0xE0, s8;
	[sflag:s31] =	ssyncset.done $0x0  }
0xcd: {  	[sflag:s31] =	ssyncadd.s32 $0xFFFFC800  }
0xce: {  	p0 =	seq.s32 s8, $0x6;
	s10 =	sadd.s32 s5, s11;
	_ =	swait.ge [sflag:s31], $0x3800  }
0xcf: {  	s11 =	simm.s32 $0x0;
	s10 =	sshll.u32 s10, $0x4;
	[sflag:s31] =	ssyncset.done $0x0  }
.Ltmp6:
0xd0: {  	s10 =	sadd.s32 s4, s10;
	[sflag:s31] =	ssyncadd.s32 $0xFFFFC800;
	(pc) =	sbr.rel @p0 .LBB2_10-.Ltmp6, $4  }
0xd1: {  	[hbm4b:s10+s11] =	stream.linear.scatter [tilespmem:s29], [sflag:$0x4], $0x3800, $0x38;
	[tilespmem:$0xC000] =	vst v63  }
0xd2: {  	_ =	swait.ge [sflag:s0], $0x3800  }
0xd3: {  	[sflag:s0] =	ssyncset.done $0x0  }
0xd4: {  	[sflag:s0] =	ssyncadd.s32 $0xFFFFC800  }
0xd5: {  	s10 =	sshra.s32 s11, $0x2;
	s11 =	sadd.s32 $0x200, s11  }
.LBB2_8:
0xd6: {  	p0 =	sne.s32 s11, $0xDE00;
	[tilespmem:s10+$0x5070] =	vst v0  }
0xd7: {  	[tilespmem:s10+$0x5000] =	vst v0  }
0xd8: {  	[tilespmem:s10+$0x5010] =	vst v0  }
.Ltmp7:
0xd9: {  	[tilespmem:s10+$0x5020] =	vst v0;
	(pc) =	sbr.rel @p0 .LBB2_8-.Ltmp7, $4  }
0xda: {  	[tilespmem:s10+$0x5030] =	vst v0  }
0xdb: {  	[tilespmem:s10+$0x5040] =	vst v0  }
0xdc: {  	[tilespmem:s10+$0x5050] =	vst v0  }
0xdd: {  	[tilespmem:s10+$0x5060] =	vst v0;
	s10 =	sshra.s32 s11, $0x2;
	s11 =	sadd.s32 $0x200, s11  }
0xde: {  	[tilespmem:s10+$0x5070] =	vst v0  }
0xdf: {  	[tilespmem:s10+$0x5000] =	vst v0  }
0xe0: {  	[tilespmem:s10+$0x5010] =	vst v0  }
0xe1: {  	[tilespmem:s10+$0x5020] =	vst v0  }
0xe2: {  	[tilespmem:s10+$0x5030] =	vst v0  }
0xe3: {  	[tilespmem:s10+$0x5040] =	vst v0;
	s11 =	sshll.u32 s8, $0x8  }
0xe4: {  	[tilespmem:s10+$0x5050] =	vst v0;
	s11 =	sand.u32 $0x3FFFFF00, s11  }
0xe5: {  	[tilespmem:s10+$0x5060] =	vst v0;
	s10 =	sadd.s32 $0x100, s11  }
0xe6: {  	[tilespmem:s29], [sflag:$0x2] =	stream.indirect.gather.add.f32 [hbm:s1], $0x80, s10, s28, $0xb8;
	[tilespmem:$0xC000] =	vst v63  }
0xe7: {  	s10 =	sadd.s32 $0x900, s11  }
0xe8: {  	[tilespmem:s29], [sflag:$0x2] =	stream.indirect.gather.add.f32 [hbm:s1], $0x80, s10, s28, $0xb8;
	[tilespmem:$0xC000] =	vst v63  }
0xe9: {  	s10 =	sadd.s32 $0x1100, s11  }
0xea: {  	[tilespmem:s29], [sflag:$0x2] =	stream.indirect.gather.add.f32 [hbm:s1], $0x80, s10, s28, $0xb8;
	[tilespmem:$0xC000] =	vst v63  }
0xeb: {  	s10 =	sadd.s32 $0x1900, s11  }
0xec: {  	[tilespmem:s29], [sflag:$0x2] =	stream.indirect.gather.add.f32 [hbm:s1], $0x80, s10, s28, $0xb8;
	[tilespmem:$0xC000] =	vst v63  }
0xed: {  	s10 =	sadd.s32 $0x2100, s11  }
0xee: {  	[tilespmem:s29], [sflag:$0x2] =	stream.indirect.gather.add.f32 [hbm:s1], $0x80, s10, s28, $0xb8;
	[tilespmem:$0xC000] =	vst v63  }
0xef: {  	s10 =	sadd.s32 $0x2900, s11  }
0xf0: {  	[tilespmem:s29], [sflag:$0x2] =	stream.indirect.gather.add.f32 [hbm:s1], $0x80, s10, s28, $0xb8;
	[tilespmem:$0xC000] =	vst v63  }
0xf1: {  	s10 =	sadd.s32 $0x3100, s11  }
0xf2: {  	[tilespmem:s29], [sflag:$0x2] =	stream.indirect.gather.add.f32 [hbm:s1], $0x80, s10, s28, $0xb8;
	[tilespmem:$0xC000] =	vst v63  }
0xf3: {  	s10 =	sadd.s32 $0x3900, s11  }
0xf4: {  	[tilespmem:s29], [sflag:$0x2] =	stream.indirect.gather.add.f32 [hbm:s1], $0x80, s10, s28, $0xb8;
	[tilespmem:$0xC000] =	vst v63  }
.Ltmp8:
0xf5: {  	_ = 	snop;
	(pc) =	sbr.rel .LBB2_10-.Ltmp8, $4  }
0xf6: {  	s10 =	sadd.s32 $0x4100, s11  }
0xf7: {  	[tilespmem:s29], [sflag:$0x2] =	stream.indirect.gather.add.f32 [hbm:s1], $0x80, s10, s28, $0xb8;
	[tilespmem:$0xC000] =	vst v63  }
0xf8: {  	s11 =	sadd.s32 $0x4900, s11  }
0xf9: {  	[tilespmem:s29], [sflag:$0x2] =	stream.indirect.gather.add.f32 [hbm:s1], $0x80, s11, s28, $0xb8;
	[tilespmem:$0xC000] =	vst v63  }
.LBB2_12:
0xfa: {  	_ =	sfence.sel $0x180000  }
0xfb: {  	[bflag:$0x0] =	sbarrier.arrive $0xFFFF  }
0xfc: {  	_ =	strace $0x9000004A  }
0xfd: {  	s0 =	stileid.u32;
	[bflag:$0x2] =	sbarrier.arrive $0xFFFF  }
0xfe: {  	p0 =	sne.s32 s0, $0x0;
	s0 =	rddreg [dreg:$0x3]  }
0xff: {  	s0 =	sadd.s32 @!p0 $0x100000, s0  }
0x100: {  	[sflag:s0] =	ssyncadd.tile.s32 @!p0 $0x1;
	_ =	shalt  }
.Lfunc_end2:
_tile_overlayer_lowered:
.L_overlay_start_2:
0x101: {  	(tag) =	ssettag $0x2  }
0x102: {  	s0 =	rddreg [dreg:$0x0];
	s2 =	stileid.u32  }
0x103: {  	s1 =	rddreg [dreg:$0x1];
	p0 =	sne.s32 s2, $0x0  }
0x104: {  	s3 =	rddreg [dreg:$0x2];
	[bflag:$0x3] =	sbarrier.arrive $0xFFFF;
	s2 =	simm.s32 @!p0 $0x1C04  }
0x105: {  	[timem:s3], [sflag:s2] =	dma.local @!p0 [hbm:s0], s1  }
0x106: {  	s0 =	simm.s32 @!p0 $0x4  }
0x107: {  	_ =	swait.ge @!p0 [sflag:s0], s1  }
0x108: {  	s1 =	ssub.s32 @!p0 $0x0, s1;
	[sflag:s0] =	ssyncset.done @!p0 $0x0  }
0x109: {  	[sflag:s0] =	ssyncadd.s32 @!p0 s1  }
0x10a: {  	[bflag:$0x3] =	sbarrier.arrive $0xFFFF  }
0x10b: {  	_ =	shalt  }

</sc_bundles>
